<compile_context>
chip_gen: v7x
topology: tpu7x:2x2x1
jax: 0.10.2.dev20260603
libtpu: 0.0.44.dev20260713+nightly
codegen_flags: <defaults>
</compile_context>

<pallas_src>
import functools

import jax
import jax.numpy as jnp
from jax import lax
from jax.experimental import pallas as pl
from jax.experimental.pallas import tpu as pltpu
from jax.experimental.pallas import tpu_sc as plsc

ROWS = 320000
D = 128
NSEG = 10000
NC = 2
NS = 16
NW = NC * NS
CHUNK = 128
NCHUNKS = ROWS // CHUNK

A = [((w * (NSEG // 8)) // NW) * 8 for w in range(NW + 1)]
MAXOWN = 320
ACCROWS = MAXOWN + 8


def _segment_mean(y, idx):
  mesh = plsc.VectorSubcoreMesh(
      core_axis_name="c", subcore_axis_name="s", num_cores=NC,
      num_subcores=NS)

  @functools.partial(
      pl.kernel,
      mesh=mesh,
      out_type=jax.ShapeDtypeStruct((NSEG, D), jnp.float32),
      compiler_params=pltpu.CompilerParams(needs_layout_passes=False),
      scratch_types=[
          pltpu.VMEM((2, CHUNK, D), jnp.float32),
          pltpu.VMEM((2, 1, 128), jnp.int32),
          pltpu.VMEM((ACCROWS, D), jnp.float32),
          pltpu.VMEM((ACCROWS, 16), jnp.float32),
          pltpu.VMEM((16,), jnp.int32),
      ],
  )
  def k(y_hbm, idx_hbm, out_hbm, ybuf, ibuf, acc, cacc, pbuf):
    c = lax.axis_index("c")
    s = lax.axis_index("s")
    w = c * NS + s

    a_lo = lax.div(w * (NSEG // 8), NW) * 8
    a_hi = lax.div((w + 1) * (NSEG // 8), NW) * 8
    own = a_hi - a_lo

    zero16 = jnp.zeros((16,), jnp.float32)

    def zacc(i, carry):
      for g in range(D // 16):
        acc[i, pl.ds(16 * g, 16)] = zero16
      cacc[i, :] = zero16
      return carry

    lax.fori_loop(0, ACCROWS, zacc, 0)

    def search(tgt):
      def bs_body(_, carry):
        lo, hi = carry
        m = lax.div(lo + hi, 2)
        a = lax.min(lax.mul(lax.div(m, 8), 8), jnp.int32(ROWS - 16))
        pltpu.sync_copy(idx_hbm.at[pl.ds(a, 16)], pbuf)
        v16 = pbuf[...]
        off = m - a
        v = jnp.int32(0)
        for kk in range(16):
          v = jnp.where(off == kk, v16[kk], v)
        big = v >= tgt
        live = lo < hi
        return (jnp.where(live, jnp.where(big, lo, m + 1), lo),
                jnp.where(live, jnp.where(big, m, hi), hi))

      res = lax.fori_loop(0, 19, bs_body, (jnp.int32(0), jnp.int32(ROWS)))
      return res[0]

    r_lo = search(a_lo)
    r_hi = search(a_hi)

    clo = lax.div(r_lo, CHUNK)
    chi = lax.div(r_hi + CHUNK - 1, CHUNK)

    lanes = lax.iota(jnp.int32, 16)

    def process(i, slot):
      pltpu.sync_copy(y_hbm.at[pl.ds(i * CHUNK, CHUNK)], ybuf.at[slot])
      pltpu.sync_copy(idx_hbm.at[pl.ds(i * CHUNK, 128)], ibuf.at[slot, 0])

      def row_body(rq, carry):
        r = 2 * rq
        rowvs = []
        for u in range(2):
          iv = plsc.load_gather(ibuf.at[slot, 0], [jnp.full((16,), u) + r])
          loc = iv - a_lo
          ok = (loc >= 0) & (loc < own)
          tr = MAXOWN + (iv & 7)
          rowvs.append(jnp.where(ok, loc, tr))
        yvs = [[ybuf[slot, r + u, pl.ds(16 * g, 16)]
                for g in range(D // 16)] for u in range(2)]
        for g in range(D // 16):
          for u in range(2):
            plsc.addupdate_scatter(acc, [rowvs[u], 16 * g + lanes],
                                   yvs[u][g])
        one_l = jnp.full((16,), 1.0, jnp.float32)
        for u in range(2):
          plsc.addupdate_scatter(cacc, [rowvs[u], lanes], one_l)
        return carry

      lax.fori_loop(0, CHUNK // 2, row_body, 0)

    def pair_body(p, carry):
      i0 = clo + 2 * p

      @pl.when(i0 < chi)
      def _():
        process(i0, 0)

      @pl.when(i0 + 1 < chi)
      def _():
        process(i0 + 1, 1)

      return carry

    lax.fori_loop(0, lax.div(chi - clo + 1, 2), pair_body, 0)

    def div_row(r, carry):
      rcp = 1.0 / jnp.maximum(cacc[r, :], 1.0)
      for g in range(D // 16):
        acc[r, pl.ds(16 * g, 16)] = acc[r, pl.ds(16 * g, 16)] * rcp
      return carry

    lax.fori_loop(0, MAXOWN, div_row, 0)

    @pl.when(own == 312)
    def _():
      for (o, nr) in ((0, 128), (128, 128), (256, 56)):
        pltpu.sync_copy(acc.at[pl.ds(o, nr)],
                        out_hbm.at[pl.ds(a_lo + o, nr)])

    @pl.when(own == 320)
    def _():
      for (o, nr) in ((0, 128), (128, 128), (256, 64)):
        pltpu.sync_copy(acc.at[pl.ds(o, nr)],
                        out_hbm.at[pl.ds(a_lo + o, nr)])

  return k(y, idx)


@jax.jit
def kernel(y, idx):
  return _segment_mean(y, idx.astype(jnp.int32))

# --- scband reference (transcript-rebuilt; emitter-appended) ---
"""Pipeline reference for scband-scatter-wrapper-33019708572041 (READ-ONLY COPY).

The authoritative reference and input builder live on the scoring server;
editing this copy changes nothing except your own understanding.
"""

import jax, jax.numpy as jnp
import numpy as np

NUM_SEGMENTS = 10000

def setup_inputs(seed: int = 0) -> dict:
    key = jax.random.key(seed)
    k1, k2 = jax.random.split(key)
    y = jax.random.normal(k1, (320000, 128), dtype=jnp.float32)
    idx = jnp.sort(jax.random.randint(k2, (320000,), 0, NUM_SEGMENTS, dtype=jnp.int64))
    return {"y": y, "idx": idx}

def reference(y, idx):
    # torch_scatter.scatter(y, idx, dim=0, reduce='mean'):
    # segment sum divided by per-segment count (clamped to >= 1)
    sums = jax.ops.segment_sum(y, idx, num_segments=NUM_SEGMENTS)
    counts = jax.ops.segment_sum(jnp.ones((y.shape[0],), dtype=y.dtype), idx, num_segments=NUM_SEGMENTS)
    counts = jnp.clip(counts, 1.0, None)
    z = sums / counts[:, None]
    return z

if __name__ == "__main__":
    import jax
    _d = setup_inputs()
    print(jax.jit(kernel)(*tuple(_d.values())))

</pallas_src>

<mosaic_0001>
#map = affine_map<(d0, d1) -> (0, 0)>
#map1 = affine_map<(d0, d1) -> (0)>
module attributes {stable_mosaic.version = 14 : i64} {
  func.func @k(%arg0: i32, %arg1: i32, %arg2: memref<320000x128xf32, #tpu.memory_space<hbm>>, %arg3: memref<320000xi32, #tpu.memory_space<hbm>>, %arg4: memref<10000x128xf32, #tpu.memory_space<hbm>>, %arg5: memref<2x128x128xf32, #tpu.memory_space<vmem>>, %arg6: memref<2x1x128xi32, #tpu.memory_space<vmem>>, %arg7: memref<328x128xf32, #tpu.memory_space<vmem>>, %arg8: memref<328x16xf32, #tpu.memory_space<vmem>>, %arg9: memref<16xi32, #tpu.memory_space<vmem>>) attributes {dimension_semantics = [#tpu.dimension_semantics<core_parallel>, #tpu.dimension_semantics<subcore_parallel>], iteration_bounds = array<i64: 2, 16>, scalar_prefetch = 0 : i64, scratch_operands = 5 : i64, tpu.core_type = #tpu.core_type<sc_vector_subcore>, window_params = [{transform_indices = #map}, {transform_indices = #map1}, {transform_indices = #map}]} {
    %mul3A = arith.constant 16 : i32
    %mul3A_0 = arith.muli %arg0, %mul3A : i32
    %add3A = arith.addi %mul3A_0, %arg1 : i32
    %mul3A_1 = arith.constant 1250 : i32
    %mul3A_2 = arith.muli %add3A, %mul3A_1 : i32
    %div3A = arith.constant 32 : i32
    %div3A_3 = arith.divsi %mul3A_2, %div3A : i32
    %mul3A_4 = arith.constant 8 : i32
    %mul3A_5 = arith.muli %div3A_3, %mul3A_4 : i32
    %add3A_6 = arith.constant 1 : i32
    %add3A_7 = arith.addi %add3A, %add3A_6 : i32
    %mul3A_8 = arith.constant 1250 : i32
    %mul3A_9 = arith.muli %add3A_7, %mul3A_8 : i32
    %div3A_10 = arith.constant 32 : i32
    %div3A_11 = arith.divsi %mul3A_9, %div3A_10 : i32
    %mul3A_12 = arith.constant 8 : i32
    %mul3A_13 = arith.muli %div3A_11, %mul3A_12 : i32
    %sub3A = arith.subi %mul3A_13, %mul3A_5 : i32
    %broadcast_in_dim3A = arith.constant 0.000000e+00 : f32
    %broadcast_in_dim3A_14 = vector.broadcast %broadcast_in_dim3A : f32 to vector<16xf32>
    %scan3A = arith.constant 0 : i32
    %scan3A_15 = arith.constant 0 : i32
    %scan3A_16 = arith.constant 328 : i32
    %scan3A_17 = arith.addi %scan3A_15, %scan3A_16 : i32
    %scan3A_18 = arith.constant 1 : i32
    scf.for %scan3A_71 = %scan3A_15 to %scan3A_17 step %scan3A_18  : i32 {
      %swap3A = arith.index_cast %scan3A_71 : i32 to index
      %swap3A_72 = arith.constant 0 : index
      %swap3A_73 = tpu.vector_load %arg7[%swap3A, %swap3A_72] {strides = array<i32>} : memref<328x128xf32, #tpu.memory_space<vmem>>, vector<16xf32>,
      tpu.vector_store %arg7[%swap3A, %swap3A_72], %broadcast_in_dim3A_14 {strides = array<i32>} : memref<328x128xf32, #tpu.memory_space<vmem>>, vector<16xf32>,
      %swap3A_74 = arith.index_cast %scan3A_71 : i32 to index
      %swap3A_75 = arith.constant 16 : index
      %swap3A_76 = tpu.vector_load %arg7[%swap3A_74, %swap3A_75] {strides = array<i32>} : memref<328x128xf32, #tpu.memory_space<vmem>>, vector<16xf32>,
      tpu.vector_store %arg7[%swap3A_74, %swap3A_75], %broadcast_in_dim3A_14 {strides = array<i32>} : memref<328x128xf32, #tpu.memory_space<vmem>>, vector<16xf32>,
      %swap3A_77 = arith.index_cast %scan3A_71 : i32 to index
      %swap3A_78 = arith.constant 32 : index
      %swap3A_79 = tpu.vector_load %arg7[%swap3A_77, %swap3A_78] {strides = array<i32>} : memref<328x128xf32, #tpu.memory_space<vmem>>, vector<16xf32>,
      tpu.vector_store %arg7[%swap3A_77, %swap3A_78], %broadcast_in_dim3A_14 {strides = array<i32>} : memref<328x128xf32, #tpu.memory_space<vmem>>, vector<16xf32>,
      %swap3A_80 = arith.index_cast %scan3A_71 : i32 to index
      %swap3A_81 = arith.constant 48 : index
      %swap3A_82 = tpu.vector_load %arg7[%swap3A_80, %swap3A_81] {strides = array<i32>} : memref<328x128xf32, #tpu.memory_space<vmem>>, vector<16xf32>,
      tpu.vector_store %arg7[%swap3A_80, %swap3A_81], %broadcast_in_dim3A_14 {strides = array<i32>} : memref<328x128xf32, #tpu.memory_space<vmem>>, vector<16xf32>,
      %swap3A_83 = arith.index_cast %scan3A_71 : i32 to index
      %swap3A_84 = arith.constant 64 : index
      %swap3A_85 = tpu.vector_load %arg7[%swap3A_83, %swap3A_84] {strides = array<i32>} : memref<328x128xf32, #tpu.memory_space<vmem>>, vector<16xf32>,
      tpu.vector_store %arg7[%swap3A_83, %swap3A_84], %broadcast_in_dim3A_14 {strides = array<i32>} : memref<328x128xf32, #tpu.memory_space<vmem>>, vector<16xf32>,
      %swap3A_86 = arith.index_cast %scan3A_71 : i32 to index
      %swap3A_87 = arith.constant 80 : index
      %swap3A_88 = tpu.vector_load %arg7[%swap3A_86, %swap3A_87] {strides = array<i32>} : memref<328x128xf32, #tpu.memory_space<vmem>>, vector<16xf32>,
      tpu.vector_store %arg7[%swap3A_86, %swap3A_87], %broadcast_in_dim3A_14 {strides = array<i32>} : memref<328x128xf32, #tpu.memory_space<vmem>>, vector<16xf32>,
      %swap3A_89 = arith.index_cast %scan3A_71 : i32 to index
      %swap3A_90 = arith.constant 96 : index
      %swap3A_91 = tpu.vector_load %arg7[%swap3A_89, %swap3A_90] {strides = array<i32>} : memref<328x128xf32, #tpu.memory_space<vmem>>, vector<16xf32>,
      tpu.vector_store %arg7[%swap3A_89, %swap3A_90], %broadcast_in_dim3A_14 {strides = array<i32>} : memref<328x128xf32, #tpu.memory_space<vmem>>, vector<16xf32>,
      %swap3A_92 = arith.index_cast %scan3A_71 : i32 to index
      %swap3A_93 = arith.constant 112 : index
      %swap3A_94 = tpu.vector_load %arg7[%swap3A_92, %swap3A_93] {strides = array<i32>} : memref<328x128xf32, #tpu.memory_space<vmem>>, vector<16xf32>,
      tpu.vector_store %arg7[%swap3A_92, %swap3A_93], %broadcast_in_dim3A_14 {strides = array<i32>} : memref<328x128xf32, #tpu.memory_space<vmem>>, vector<16xf32>,
      %swap3A_95 = arith.index_cast %scan3A_71 : i32 to index
      %swap3A_96 = arith.constant 0 : index
      %swap3A_97 = tpu.vector_load %arg8[%swap3A_95, %swap3A_96] {strides = array<i32>} : memref<328x16xf32, #tpu.memory_space<vmem>>, vector<16xf32>,
      tpu.vector_store %arg8[%swap3A_95, %swap3A_96], %broadcast_in_dim3A_14 {strides = array<i32>} : memref<328x16xf32, #tpu.memory_space<vmem>>, vector<16xf32>,
    }
    %scan3A_19 = arith.constant 328 : i32
    %scan3A_20 = arith.constant 0 : i32
    %scan3A_21 = arith.constant 320000 : i32
    %scan3A_22 = arith.constant 0 : i32
    %scan3A_23 = arith.constant 19 : i32
    %scan3A_24 = arith.addi %scan3A_22, %scan3A_23 : i32
    %scan3A_25 = arith.constant 1 : i32
    %scan3A_26:2 = scf.for %scan3A_71 = %scan3A_22 to %scan3A_24 step %scan3A_25 iter_args(%scan3A_72 = %scan3A_20, %scan3A_73 = %scan3A_21) -> (i32, i32)  : i32 {
      %add3A_74 = arith.addi %scan3A_72, %scan3A_73 : i32
      %div3A_75 = arith.constant 2 : i32
      %div3A_76 = arith.divsi %add3A_74, %div3A_75 : i32
      %div3A_77 = arith.constant 8 : i32
      %div3A_78 = arith.divsi %div3A_76, %div3A_77 : i32
      %mul3A_79 = arith.constant 8 : i32
      %mul3A_80 = arith.muli %div3A_78, %mul3A_79 : i32
      %min3A = arith.constant 319984 : i32
      %min3A_81 = arith.minsi %mul3A_80, %min3A : i32
      "tpu.region"() ({
        %run_scoped3A = tpu.sem_alloc : memref<!tpu.dma_semaphore, #tpu.memory_space<semaphore_mem>>
        %dma_start3A = tpu.memref_slice %arg3[%min3A_81] : memref<320000xi32, #tpu.memory_space<hbm>> -> memref<16xi32, #tpu.memory_space<hbm>>
        %dma_start3A_167 = tpu.memref_slice %arg3[%min3A_81] : memref<320000xi32, #tpu.memory_space<hbm>> -> memref<16xi32, #tpu.memory_space<hbm>>
        tpu.enqueue_dma source(%dma_start3A_167 : memref<16xi32, #tpu.memory_space<hbm>>) target(%arg9 : memref<16xi32, #tpu.memory_space<vmem>>) target_semaphore(%run_scoped3A : memref<!tpu.dma_semaphore, #tpu.memory_space<semaphore_mem>>)
        %dma_wait3A = tpu.memref_slice %arg3[%min3A_81] : memref<320000xi32, #tpu.memory_space<hbm>> -> memref<16xi32, #tpu.memory_space<hbm>>
        %dma_wait3A_168 = tpu.memref_slice %arg3[%min3A_81] : memref<320000xi32, #tpu.memory_space<hbm>> -> memref<16xi32, #tpu.memory_space<hbm>>
        tpu.wait_dma2 semaphore(%run_scoped3A : memref<!tpu.dma_semaphore, #tpu.memory_space<semaphore_mem>>) src(%dma_wait3A_168 : memref<16xi32, #tpu.memory_space<hbm>>) dst(%arg9 : memref<16xi32, #tpu.memory_space<vmem>>)
        tpu.yield
      }) : () -> ()
      %get3A = arith.constant 0 : index
      %get3A_82 = tpu.vector_load %arg9[%get3A] {strides = array<i32>} : memref<16xi32, #tpu.memory_space<vmem>>, vector<16xi32>,
      %sub3A_83 = arith.subi %div3A_76, %min3A_81 : i32
      %eq3A_84 = arith.constant 0 : i32
      %eq3A_85 = arith.cmpi eq, %sub3A_83, %eq3A_84 : i32
      %slice3A = vector.extract_strided_slice %get3A_82 {offsets = [0], sizes = [1], strides = [1]} : vector<16xi32> to vector<1xi32>
      %squeeze3A = vector.extract %slice3A[0] : i32 from vector<1xi32>
      %jit3A = arith.constant 0 : i32
      %select_n3A = arith.select %eq3A_85, %squeeze3A, %jit3A : i32
      %eq3A_86 = arith.constant 1 : i32
      %eq3A_87 = arith.cmpi eq, %sub3A_83, %eq3A_86 : i32
      %slice3A_88 = vector.extract_strided_slice %get3A_82 {offsets = [1], sizes = [1], strides = [1]} : vector<16xi32> to vector<1xi32>
      %squeeze3A_89 = vector.extract %slice3A_88[0] : i32 from vector<1xi32>
      %select_n3A_90 = arith.select %eq3A_87, %squeeze3A_89, %select_n3A : i32
      %eq3A_91 = arith.constant 2 : i32
      %eq3A_92 = arith.cmpi eq, %sub3A_83, %eq3A_91 : i32
      %slice3A_93 = vector.extract_strided_slice %get3A_82 {offsets = [2], sizes = [1], strides = [1]} : vector<16xi32> to vector<1xi32>
      %squeeze3A_94 = vector.extract %slice3A_93[0] : i32 from vector<1xi32>
      %select_n3A_95 = arith.select %eq3A_92, %squeeze3A_94, %select_n3A_90 : i32
      %eq3A_96 = arith.constant 3 : i32
      %eq3A_97 = arith.cmpi eq, %sub3A_83, %eq3A_96 : i32
      %slice3A_98 = vector.extract_strided_slice %get3A_82 {offsets = [3], sizes = [1], strides = [1]} : vector<16xi32> to vector<1xi32>
      %squeeze3A_99 = vector.extract %slice3A_98[0] : i32 from vector<1xi32>
      %select_n3A_100 = arith.select %eq3A_97, %squeeze3A_99, %select_n3A_95 : i32
      %eq3A_101 = arith.constant 4 : i32
      %eq3A_102 = arith.cmpi eq, %sub3A_83, %eq3A_101 : i32
      %slice3A_103 = vector.extract_strided_slice %get3A_82 {offsets = [4], sizes = [1], strides = [1]} : vector<16xi32> to vector<1xi32>
      %squeeze3A_104 = vector.extract %slice3A_103[0] : i32 from vector<1xi32>
      %select_n3A_105 = arith.select %eq3A_102, %squeeze3A_104, %select_n3A_100 : i32
      %eq3A_106 = arith.constant 5 : i32
      %eq3A_107 = arith.cmpi eq, %sub3A_83, %eq3A_106 : i32
      %slice3A_108 = vector.extract_strided_slice %get3A_82 {offsets = [5], sizes = [1], strides = [1]} : vector<16xi32> to vector<1xi32>
      %squeeze3A_109 = vector.extract %slice3A_108[0] : i32 from vector<1xi32>
      %select_n3A_110 = arith.select %eq3A_107, %squeeze3A_109, %select_n3A_105 : i32
      %eq3A_111 = arith.constant 6 : i32
      %eq3A_112 = arith.cmpi eq, %sub3A_83, %eq3A_111 : i32
      %slice3A_113 = vector.extract_strided_slice %get3A_82 {offsets = [6], sizes = [1], strides = [1]} : vector<16xi32> to vector<1xi32>
      %squeeze3A_114 = vector.extract %slice3A_113[0] : i32 from vector<1xi32>
      %select_n3A_115 = arith.select %eq3A_112, %squeeze3A_114, %select_n3A_110 : i32
      %eq3A_116 = arith.constant 7 : i32
      %eq3A_117 = arith.cmpi eq, %sub3A_83, %eq3A_116 : i32
      %slice3A_118 = vector.extract_strided_slice %get3A_82 {offsets = [7], sizes = [1], strides = [1]} : vector<16xi32> to vector<1xi32>
      %squeeze3A_119 = vector.extract %slice3A_118[0] : i32 from vector<1xi32>
      %select_n3A_120 = arith.select %eq3A_117, %squeeze3A_119, %select_n3A_115 : i32
      %eq3A_121 = arith.constant 8 : i32
      %eq3A_122 = arith.cmpi eq, %sub3A_83, %eq3A_121 : i32
      %slice3A_123 = vector.extract_strided_slice %get3A_82 {offsets = [8], sizes = [1], strides = [1]} : vector<16xi32> to vector<1xi32>
      %squeeze3A_124 = vector.extract %slice3A_123[0] : i32 from vector<1xi32>
      %select_n3A_125 = arith.select %eq3A_122, %squeeze3A_124, %select_n3A_120 : i32
      %eq3A_126 = arith.constant 9 : i32
      %eq3A_127 = arith.cmpi eq, %sub3A_83, %eq3A_126 : i32
      %slice3A_128 = vector.extract_strided_slice %get3A_82 {offsets = [9], sizes = [1], strides = [1]} : vector<16xi32> to vector<1xi32>
      %squeeze3A_129 = vector.extract %slice3A_128[0] : i32 from vector<1xi32>
      %select_n3A_130 = arith.select %eq3A_127, %squeeze3A_129, %select_n3A_125 : i32
      %eq3A_131 = arith.constant 10 : i32
      %eq3A_132 = arith.cmpi eq, %sub3A_83, %eq3A_131 : i32
      %slice3A_133 = vector.extract_strided_slice %get3A_82 {offsets = [10], sizes = [1], strides = [1]} : vector<16xi32> to vector<1xi32>
      %squeeze3A_134 = vector.extract %slice3A_133[0] : i32 from vector<1xi32>
      %select_n3A_135 = arith.select %eq3A_132, %squeeze3A_134, %select_n3A_130 : i32
      %eq3A_136 = arith.constant 11 : i32
      %eq3A_137 = arith.cmpi eq, %sub3A_83, %eq3A_136 : i32
      %slice3A_138 = vector.extract_strided_slice %get3A_82 {offsets = [11], sizes = [1], strides = [1]} : vector<16xi32> to vector<1xi32>
      %squeeze3A_139 = vector.extract %slice3A_138[0] : i32 from vector<1xi32>
      %select_n3A_140 = arith.select %eq3A_137, %squeeze3A_139, %select_n3A_135 : i32
      %eq3A_141 = arith.constant 12 : i32
      %eq3A_142 = arith.cmpi eq, %sub3A_83, %eq3A_141 : i32
      %slice3A_143 = vector.extract_strided_slice %get3A_82 {offsets = [12], sizes = [1], strides = [1]} : vector<16xi32> to vector<1xi32>
      %squeeze3A_144 = vector.extract %slice3A_143[0] : i32 from vector<1xi32>
      %select_n3A_145 = arith.select %eq3A_142, %squeeze3A_144, %select_n3A_140 : i32
      %eq3A_146 = arith.constant 13 : i32
      %eq3A_147 = arith.cmpi eq, %sub3A_83, %eq3A_146 : i32
      %slice3A_148 = vector.extract_strided_slice %get3A_82 {offsets = [13], sizes = [1], strides = [1]} : vector<16xi32> to vector<1xi32>
      %squeeze3A_149 = vector.extract %slice3A_148[0] : i32 from vector<1xi32>
      %select_n3A_150 = arith.select %eq3A_147, %squeeze3A_149, %select_n3A_145 : i32
      %eq3A_151 = arith.constant 14 : i32
      %eq3A_152 = arith.cmpi eq, %sub3A_83, %eq3A_151 : i32
      %slice3A_153 = vector.extract_strided_slice %get3A_82 {offsets = [14], sizes = [1], strides = [1]} : vector<16xi32> to vector<1xi32>
      %squeeze3A_154 = vector.extract %slice3A_153[0] : i32 from vector<1xi32>
      %select_n3A_155 = arith.select %eq3A_152, %squeeze3A_154, %select_n3A_150 : i32
      %eq3A_156 = arith.constant 15 : i32
      %eq3A_157 = arith.cmpi eq, %sub3A_83, %eq3A_156 : i32
      %slice3A_158 = vector.extract_strided_slice %get3A_82 {offsets = [15], sizes = [1], strides = [1]} : vector<16xi32> to vector<1xi32>
      %squeeze3A_159 = vector.extract %slice3A_158[0] : i32 from vector<1xi32>
      %select_n3A_160 = arith.select %eq3A_157, %squeeze3A_159, %select_n3A_155 : i32
      %ge3A = arith.cmpi sge, %select_n3A_160, %mul3A_5 : i32
      %lt3A = arith.cmpi slt, %scan3A_72, %scan3A_73 : i32
      %add3A_161 = arith.constant 1 : i32
      %add3A_162 = arith.addi %div3A_76, %add3A_161 : i32
      %select_n3A_163 = arith.select %ge3A, %scan3A_72, %add3A_162 : i32
      %select_n3A_164 = arith.select %lt3A, %select_n3A_163, %scan3A_72 : i32
      %select_n3A_165 = arith.select %ge3A, %div3A_76, %scan3A_73 : i32
      %select_n3A_166 = arith.select %lt3A, %select_n3A_165, %scan3A_73 : i32
      scf.yield %select_n3A_164, %select_n3A_166 : i32, i32
    }
    %scan3A_27 = arith.constant 19 : i32
    %scan3A_28 = arith.constant 0 : i32
    %scan3A_29 = arith.constant 320000 : i32
    %scan3A_30 = arith.constant 0 : i32
    %scan3A_31 = arith.constant 19 : i32
    %scan3A_32 = arith.addi %scan3A_30, %scan3A_31 : i32
    %scan3A_33 = arith.constant 1 : i32
    %scan3A_34:2 = scf.for %scan3A_71 = %scan3A_30 to %scan3A_32 step %scan3A_33 iter_args(%scan3A_72 = %scan3A_28, %scan3A_73 = %scan3A_29) -> (i32, i32)  : i32 {
      %add3A_74 = arith.addi %scan3A_72, %scan3A_73 : i32
      %div3A_75 = arith.constant 2 : i32
      %div3A_76 = arith.divsi %add3A_74, %div3A_75 : i32
      %div3A_77 = arith.constant 8 : i32
      %div3A_78 = arith.divsi %div3A_76, %div3A_77 : i32
      %mul3A_79 = arith.constant 8 : i32
      %mul3A_80 = arith.muli %div3A_78, %mul3A_79 : i32
      %min3A = arith.constant 319984 : i32
      %min3A_81 = arith.minsi %mul3A_80, %min3A : i32
      "tpu.region"() ({
        %run_scoped3A = tpu.sem_alloc : memref<!tpu.dma_semaphore, #tpu.memory_space<semaphore_mem>>
        %dma_start3A = tpu.memref_slice %arg3[%min3A_81] : memref<320000xi32, #tpu.memory_space<hbm>> -> memref<16xi32, #tpu.memory_space<hbm>>
        %dma_start3A_167 = tpu.memref_slice %arg3[%min3A_81] : memref<320000xi32, #tpu.memory_space<hbm>> -> memref<16xi32, #tpu.memory_space<hbm>>
        tpu.enqueue_dma source(%dma_start3A_167 : memref<16xi32, #tpu.memory_space<hbm>>) target(%arg9 : memref<16xi32, #tpu.memory_space<vmem>>) target_semaphore(%run_scoped3A : memref<!tpu.dma_semaphore, #tpu.memory_space<semaphore_mem>>)
        %dma_wait3A = tpu.memref_slice %arg3[%min3A_81] : memref<320000xi32, #tpu.memory_space<hbm>> -> memref<16xi32, #tpu.memory_space<hbm>>
        %dma_wait3A_168 = tpu.memref_slice %arg3[%min3A_81] : memref<320000xi32, #tpu.memory_space<hbm>> -> memref<16xi32, #tpu.memory_space<hbm>>
        tpu.wait_dma2 semaphore(%run_scoped3A : memref<!tpu.dma_semaphore, #tpu.memory_space<semaphore_mem>>) src(%dma_wait3A_168 : memref<16xi32, #tpu.memory_space<hbm>>) dst(%arg9 : memref<16xi32, #tpu.memory_space<vmem>>)
        tpu.yield
      }) : () -> ()
      %get3A = arith.constant 0 : index
      %get3A_82 = tpu.vector_load %arg9[%get3A] {strides = array<i32>} : memref<16xi32, #tpu.memory_space<vmem>>, vector<16xi32>,
      %sub3A_83 = arith.subi %div3A_76, %min3A_81 : i32
      %eq3A_84 = arith.constant 0 : i32
      %eq3A_85 = arith.cmpi eq, %sub3A_83, %eq3A_84 : i32
      %slice3A = vector.extract_strided_slice %get3A_82 {offsets = [0], sizes = [1], strides = [1]} : vector<16xi32> to vector<1xi32>
      %squeeze3A = vector.extract %slice3A[0] : i32 from vector<1xi32>
      %jit3A = arith.constant 0 : i32
      %select_n3A = arith.select %eq3A_85, %squeeze3A, %jit3A : i32
      %eq3A_86 = arith.constant 1 : i32
      %eq3A_87 = arith.cmpi eq, %sub3A_83, %eq3A_86 : i32
      %slice3A_88 = vector.extract_strided_slice %get3A_82 {offsets = [1], sizes = [1], strides = [1]} : vector<16xi32> to vector<1xi32>
      %squeeze3A_89 = vector.extract %slice3A_88[0] : i32 from vector<1xi32>
      %select_n3A_90 = arith.select %eq3A_87, %squeeze3A_89, %select_n3A : i32
      %eq3A_91 = arith.constant 2 : i32
      %eq3A_92 = arith.cmpi eq, %sub3A_83, %eq3A_91 : i32
      %slice3A_93 = vector.extract_strided_slice %get3A_82 {offsets = [2], sizes = [1], strides = [1]} : vector<16xi32> to vector<1xi32>
      %squeeze3A_94 = vector.extract %slice3A_93[0] : i32 from vector<1xi32>
      %select_n3A_95 = arith.select %eq3A_92, %squeeze3A_94, %select_n3A_90 : i32
      %eq3A_96 = arith.constant 3 : i32
      %eq3A_97 = arith.cmpi eq, %sub3A_83, %eq3A_96 : i32
      %slice3A_98 = vector.extract_strided_slice %get3A_82 {offsets = [3], sizes = [1], strides = [1]} : vector<16xi32> to vector<1xi32>
      %squeeze3A_99 = vector.extract %slice3A_98[0] : i32 from vector<1xi32>
      %select_n3A_100 = arith.select %eq3A_97, %squeeze3A_99, %select_n3A_95 : i32
      %eq3A_101 = arith.constant 4 : i32
      %eq3A_102 = arith.cmpi eq, %sub3A_83, %eq3A_101 : i32
      %slice3A_103 = vector.extract_strided_slice %get3A_82 {offsets = [4], sizes = [1], strides = [1]} : vector<16xi32> to vector<1xi32>
      %squeeze3A_104 = vector.extract %slice3A_103[0] : i32 from vector<1xi32>
      %select_n3A_105 = arith.select %eq3A_102, %squeeze3A_104, %select_n3A_100 : i32
      %eq3A_106 = arith.constant 5 : i32
      %eq3A_107 = arith.cmpi eq, %sub3A_83, %eq3A_106 : i32
      %slice3A_108 = vector.extract_strided_slice %get3A_82 {offsets = [5], sizes = [1], strides = [1]} : vector<16xi32> to vector<1xi32>
      %squeeze3A_109 = vector.extract %slice3A_108[0] : i32 from vector<1xi32>
      %select_n3A_110 = arith.select %eq3A_107, %squeeze3A_109, %select_n3A_105 : i32
      %eq3A_111 = arith.constant 6 : i32
      %eq3A_112 = arith.cmpi eq, %sub3A_83, %eq3A_111 : i32
      %slice3A_113 = vector.extract_strided_slice %get3A_82 {offsets = [6], sizes = [1], strides = [1]} : vector<16xi32> to vector<1xi32>
      %squeeze3A_114 = vector.extract %slice3A_113[0] : i32 from vector<1xi32>
      %select_n3A_115 = arith.select %eq3A_112, %squeeze3A_114, %select_n3A_110 : i32
      %eq3A_116 = arith.constant 7 : i32
      %eq3A_117 = arith.cmpi eq, %sub3A_83, %eq3A_116 : i32
      %slice3A_118 = vector.extract_strided_slice %get3A_82 {offsets = [7], sizes = [1], strides = [1]} : vector<16xi32> to vector<1xi32>
      %squeeze3A_119 = vector.extract %slice3A_118[0] : i32 from vector<1xi32>
      %select_n3A_120 = arith.select %eq3A_117, %squeeze3A_119, %select_n3A_115 : i32
      %eq3A_121 = arith.constant 8 : i32
      %eq3A_122 = arith.cmpi eq, %sub3A_83, %eq3A_121 : i32
      %slice3A_123 = vector.extract_strided_slice %get3A_82 {offsets = [8], sizes = [1], strides = [1]} : vector<16xi32> to vector<1xi32>
      %squeeze3A_124 = vector.extract %slice3A_123[0] : i32 from vector<1xi32>
      %select_n3A_125 = arith.select %eq3A_122, %squeeze3A_124, %select_n3A_120 : i32
      %eq3A_126 = arith.constant 9 : i32
      %eq3A_127 = arith.cmpi eq, %sub3A_83, %eq3A_126 : i32
      %slice3A_128 = vector.extract_strided_slice %get3A_82 {offsets = [9], sizes = [1], strides = [1]} : vector<16xi32> to vector<1xi32>
      %squeeze3A_129 = vector.extract %slice3A_128[0] : i32 from vector<1xi32>
      %select_n3A_130 = arith.select %eq3A_127, %squeeze3A_129, %select_n3A_125 : i32
      %eq3A_131 = arith.constant 10 : i32
      %eq3A_132 = arith.cmpi eq, %sub3A_83, %eq3A_131 : i32
      %slice3A_133 = vector.extract_strided_slice %get3A_82 {offsets = [10], sizes = [1], strides = [1]} : vector<16xi32> to vector<1xi32>
      %squeeze3A_134 = vector.extract %slice3A_133[0] : i32 from vector<1xi32>
      %select_n3A_135 = arith.select %eq3A_132, %squeeze3A_134, %select_n3A_130 : i32
      %eq3A_136 = arith.constant 11 : i32
      %eq3A_137 = arith.cmpi eq, %sub3A_83, %eq3A_136 : i32
      %slice3A_138 = vector.extract_strided_slice %get3A_82 {offsets = [11], sizes = [1], strides = [1]} : vector<16xi32> to vector<1xi32>
      %squeeze3A_139 = vector.extract %slice3A_138[0] : i32 from vector<1xi32>
      %select_n3A_140 = arith.select %eq3A_137, %squeeze3A_139, %select_n3A_135 : i32
      %eq3A_141 = arith.constant 12 : i32
      %eq3A_142 = arith.cmpi eq, %sub3A_83, %eq3A_141 : i32
      %slice3A_143 = vector.extract_strided_slice %get3A_82 {offsets = [12], sizes = [1], strides = [1]} : vector<16xi32> to vector<1xi32>
      %squeeze3A_144 = vector.extract %slice3A_143[0] : i32 from vector<1xi32>
      %select_n3A_145 = arith.select %eq3A_142, %squeeze3A_144, %select_n3A_140 : i32
      %eq3A_146 = arith.constant 13 : i32
      %eq3A_147 = arith.cmpi eq, %sub3A_83, %eq3A_146 : i32
      %slice3A_148 = vector.extract_strided_slice %get3A_82 {offsets = [13], sizes = [1], strides = [1]} : vector<16xi32> to vector<1xi32>
      %squeeze3A_149 = vector.extract %slice3A_148[0] : i32 from vector<1xi32>
      %select_n3A_150 = arith.select %eq3A_147, %squeeze3A_149, %select_n3A_145 : i32
      %eq3A_151 = arith.constant 14 : i32
      %eq3A_152 = arith.cmpi eq, %sub3A_83, %eq3A_151 : i32
      %slice3A_153 = vector.extract_strided_slice %get3A_82 {offsets = [14], sizes = [1], strides = [1]} : vector<16xi32> to vector<1xi32>
      %squeeze3A_154 = vector.extract %slice3A_153[0] : i32 from vector<1xi32>
      %select_n3A_155 = arith.select %eq3A_152, %squeeze3A_154, %select_n3A_150 : i32
      %eq3A_156 = arith.constant 15 : i32
      %eq3A_157 = arith.cmpi eq, %sub3A_83, %eq3A_156 : i32
      %slice3A_158 = vector.extract_strided_slice %get3A_82 {offsets = [15], sizes = [1], strides = [1]} : vector<16xi32> to vector<1xi32>
      %squeeze3A_159 = vector.extract %slice3A_158[0] : i32 from vector<1xi32>
      %select_n3A_160 = arith.select %eq3A_157, %squeeze3A_159, %select_n3A_155 : i32
      %ge3A = arith.cmpi sge, %select_n3A_160, %mul3A_13 : i32
      %lt3A = arith.cmpi slt, %scan3A_72, %scan3A_73 : i32
      %add3A_161 = arith.constant 1 : i32
      %add3A_162 = arith.addi %div3A_76, %add3A_161 : i32
      %select_n3A_163 = arith.select %ge3A, %scan3A_72, %add3A_162 : i32
      %select_n3A_164 = arith.select %lt3A, %select_n3A_163, %scan3A_72 : i32
      %select_n3A_165 = arith.select %ge3A, %div3A_76, %scan3A_73 : i32
      %select_n3A_166 = arith.select %lt3A, %select_n3A_165, %scan3A_73 : i32
      scf.yield %select_n3A_164, %select_n3A_166 : i32, i32
    }
    %scan3A_35 = arith.constant 19 : i32
    %div3A_36 = arith.constant 128 : i32
    %div3A_37 = arith.divsi %scan3A_26#0, %div3A_36 : i32
    %add3A_38 = arith.constant 128 : i32
    %add3A_39 = arith.addi %scan3A_34#0, %add3A_38 : i32
    %sub3A_40 = arith.constant 1 : i32
    %sub3A_41 = arith.subi %add3A_39, %sub3A_40 : i32
    %div3A_42 = arith.constant 128 : i32
    %div3A_43 = arith.divsi %sub3A_41, %div3A_42 : i32
    %iota3A = tpu.iota {dimensions = array<i32: 0>} : vector<16xi32>
    %sub3A_44 = arith.subi %div3A_43, %div3A_37 : i32
    %add3A_45 = arith.constant 1 : i32
    %add3A_46 = arith.addi %sub3A_44, %add3A_45 : i32
    %div3A_47 = arith.constant 2 : i32
    %div3A_48 = arith.divsi %add3A_46, %div3A_47 : i32
    %while3A = arith.constant 0 : i32
    %while3A_49 = arith.constant 0 : i32
    %while3A_50 = arith.subi %div3A_48, %while3A_49 : i32
    %while3A_51 = arith.addi %while3A_49, %while3A_50 : i32
    %while3A_52 = arith.constant 1 : i32
    %while3A_53 = arith.divsi %while3A_50, %while3A_52 : i32
    %while3A_54 = arith.muli %while3A_53, %while3A_52 : i32
    %while3A_55 = arith.addi %while3A_49, %while3A_54 : i32
    %while3A_56 = arith.constant 1 : i32
    scf.for %while3A_71 = %while3A_49 to %while3A_55 step %while3A_56  : i32 {
      %mul3A_72 = arith.constant 2 : i32
      %mul3A_73 = arith.muli %mul3A_72, %while3A_71 : i32
      %add3A_74 = arith.addi %div3A_37, %mul3A_73 : i32
      %lt3A = arith.cmpi slt, %add3A_74, %div3A_43 : i32
      %convert_element_type3A_75 = arith.extui %lt3A : i1 to i32
      %cond3A_76 = arith.constant 0 : i32
      %cond3A_77 = arith.cmpi ne, %convert_element_type3A_75, %cond3A_76 : i32
      scf.if %cond3A_77 {
        %mul3A_84 = arith.constant 128 : i32
        %mul3A_85 = arith.muli %add3A_74, %mul3A_84 : i32
        %run_scoped3A = arith.constant 0 : i32
        "tpu.region"() ({
          %run_scoped3A_96 = tpu.sem_alloc : memref<!tpu.dma_semaphore, #tpu.memory_space<semaphore_mem>>
          %dma_start3A = arith.constant 0 : i32
          %dma_start3A_97 = arith.constant 0 : i32
          %dma_start3A_98 = tpu.memref_slice %arg5[%run_scoped3A, %dma_start3A, %dma_start3A_97] : memref<2x128x128xf32, #tpu.memory_space<vmem>> -> memref<1x128x128xf32, #tpu.memory_space<vmem>>
          %dma_start3A_99 = tpu.memref_squeeze %dma_start3A_98 : memref<1x128x128xf32, #tpu.memory_space<vmem>> -> memref<128x128xf32, #tpu.memory_space<vmem>>
          %dma_start3A_100 = arith.constant 0 : i32
          %dma_start3A_101 = tpu.memref_slice %arg2[%mul3A_85, %dma_start3A_100] : memref<320000x128xf32, #tpu.memory_space<hbm>> -> memref<128x128xf32, #tpu.memory_space<hbm>>
          %dma_start3A_102 = arith.constant 0 : i32
          %dma_start3A_103 = arith.constant 0 : i32
          %dma_start3A_104 = tpu.memref_slice %arg5[%run_scoped3A, %dma_start3A_102, %dma_start3A_103] : memref<2x128x128xf32, #tpu.memory_space<vmem>> -> memref<1x128x128xf32, #tpu.memory_space<vmem>>
          %dma_start3A_105 = tpu.memref_squeeze %dma_start3A_104 : memref<1x128x128xf32, #tpu.memory_space<vmem>> -> memref<128x128xf32, #tpu.memory_space<vmem>>
          %dma_start3A_106 = arith.constant 0 : i32
          %dma_start3A_107 = tpu.memref_slice %arg2[%mul3A_85, %dma_start3A_106] : memref<320000x128xf32, #tpu.memory_space<hbm>> -> memref<128x128xf32, #tpu.memory_space<hbm>>
          tpu.enqueue_dma source(%dma_start3A_107 : memref<128x128xf32, #tpu.memory_space<hbm>>) target(%dma_start3A_105 : memref<128x128xf32, #tpu.memory_space<vmem>>) target_semaphore(%run_scoped3A_96 : memref<!tpu.dma_semaphore, #tpu.memory_space<semaphore_mem>>)
          %dma_wait3A = arith.constant 0 : i32
          %dma_wait3A_108 = arith.constant 0 : i32
          %dma_wait3A_109 = tpu.memref_slice %arg5[%run_scoped3A, %dma_wait3A, %dma_wait3A_108] : memref<2x128x128xf32, #tpu.memory_space<vmem>> -> memref<1x128x128xf32, #tpu.memory_space<vmem>>
          %dma_wait3A_110 = tpu.memref_squeeze %dma_wait3A_109 : memref<1x128x128xf32, #tpu.memory_space<vmem>> -> memref<128x128xf32, #tpu.memory_space<vmem>>
          %dma_wait3A_111 = arith.constant 0 : i32
          %dma_wait3A_112 = tpu.memref_slice %arg2[%mul3A_85, %dma_wait3A_111] : memref<320000x128xf32, #tpu.memory_space<hbm>> -> memref<128x128xf32, #tpu.memory_space<hbm>>
          %dma_wait3A_113 = arith.constant 0 : i32
          %dma_wait3A_114 = arith.constant 0 : i32
          %dma_wait3A_115 = tpu.memref_slice %arg5[%run_scoped3A, %dma_wait3A_113, %dma_wait3A_114] : memref<2x128x128xf32, #tpu.memory_space<vmem>> -> memref<1x128x128xf32, #tpu.memory_space<vmem>>
          %dma_wait3A_116 = tpu.memref_squeeze %dma_wait3A_115 : memref<1x128x128xf32, #tpu.memory_space<vmem>> -> memref<128x128xf32, #tpu.memory_space<vmem>>
          %dma_wait3A_117 = arith.constant 0 : i32
          %dma_wait3A_118 = tpu.memref_slice %arg2[%mul3A_85, %dma_wait3A_117] : memref<320000x128xf32, #tpu.memory_space<hbm>> -> memref<128x128xf32, #tpu.memory_space<hbm>>
          tpu.wait_dma2 semaphore(%run_scoped3A_96 : memref<!tpu.dma_semaphore, #tpu.memory_space<semaphore_mem>>) src(%dma_wait3A_118 : memref<128x128xf32, #tpu.memory_space<hbm>>) dst(%dma_wait3A_116 : memref<128x128xf32, #tpu.memory_space<vmem>>)
          tpu.yield
        }) : () -> ()
        %mul3A_86 = arith.constant 128 : i32
        %mul3A_87 = arith.muli %add3A_74, %mul3A_86 : i32
        %run_scoped3A_88 = arith.constant 0 : i32
        %run_scoped3A_89 = arith.constant 0 : i32
        "tpu.region"() ({
          %run_scoped3A_96 = tpu.sem_alloc : memref<!tpu.dma_semaphore, #tpu.memory_space<semaphore_mem>>
          %dma_start3A = arith.constant 0 : i32
          %dma_start3A_97 = tpu.memref_slice %arg6[%run_scoped3A_88, %run_scoped3A_89, %dma_start3A] : memref<2x1x128xi32, #tpu.memory_space<vmem>> -> memref<1x1x128xi32, #tpu.memory_space<vmem>>
          %dma_start3A_98 = tpu.memref_squeeze %dma_start3A_97 : memref<1x1x128xi32, #tpu.memory_space<vmem>> -> memref<128xi32, #tpu.memory_space<vmem>>
          %dma_start3A_99 = tpu.memref_slice %arg3[%mul3A_87] : memref<320000xi32, #tpu.memory_space<hbm>> -> memref<128xi32, #tpu.memory_space<hbm>>
          %dma_start3A_100 = arith.constant 0 : i32
          %dma_start3A_101 = tpu.memref_slice %arg6[%run_scoped3A_88, %run_scoped3A_89, %dma_start3A_100] : memref<2x1x128xi32, #tpu.memory_space<vmem>> -> memref<1x1x128xi32, #tpu.memory_space<vmem>>
          %dma_start3A_102 = tpu.memref_squeeze %dma_start3A_101 : memref<1x1x128xi32, #tpu.memory_space<vmem>> -> memref<128xi32, #tpu.memory_space<vmem>>
          %dma_start3A_103 = tpu.memref_slice %arg3[%mul3A_87] : memref<320000xi32, #tpu.memory_space<hbm>> -> memref<128xi32, #tpu.memory_space<hbm>>
          tpu.enqueue_dma source(%dma_start3A_103 : memref<128xi32, #tpu.memory_space<hbm>>) target(%dma_start3A_102 : memref<128xi32, #tpu.memory_space<vmem>>) target_semaphore(%run_scoped3A_96 : memref<!tpu.dma_semaphore, #tpu.memory_space<semaphore_mem>>)
          %dma_wait3A = arith.constant 0 : i32
          %dma_wait3A_104 = tpu.memref_slice %arg6[%run_scoped3A_88, %run_scoped3A_89, %dma_wait3A] : memref<2x1x128xi32, #tpu.memory_space<vmem>> -> memref<1x1x128xi32, #tpu.memory_space<vmem>>
          %dma_wait3A_105 = tpu.memref_squeeze %dma_wait3A_104 : memref<1x1x128xi32, #tpu.memory_space<vmem>> -> memref<128xi32, #tpu.memory_space<vmem>>
          %dma_wait3A_106 = tpu.memref_slice %arg3[%mul3A_87] : memref<320000xi32, #tpu.memory_space<hbm>> -> memref<128xi32, #tpu.memory_space<hbm>>
          %dma_wait3A_107 = arith.constant 0 : i32
          %dma_wait3A_108 = tpu.memref_slice %arg6[%run_scoped3A_88, %run_scoped3A_89, %dma_wait3A_107] : memref<2x1x128xi32, #tpu.memory_space<vmem>> -> memref<1x1x128xi32, #tpu.memory_space<vmem>>
          %dma_wait3A_109 = tpu.memref_squeeze %dma_wait3A_108 : memref<1x1x128xi32, #tpu.memory_space<vmem>> -> memref<128xi32, #tpu.memory_space<vmem>>
          %dma_wait3A_110 = tpu.memref_slice %arg3[%mul3A_87] : memref<320000xi32, #tpu.memory_space<hbm>> -> memref<128xi32, #tpu.memory_space<hbm>>
          tpu.wait_dma2 semaphore(%run_scoped3A_96 : memref<!tpu.dma_semaphore, #tpu.memory_space<semaphore_mem>>) src(%dma_wait3A_110 : memref<128xi32, #tpu.memory_space<hbm>>) dst(%dma_wait3A_109 : memref<128xi32, #tpu.memory_space<vmem>>)
          tpu.yield
        }) : () -> ()
        %scan3A_90 = arith.constant 0 : i32
        %scan3A_91 = arith.constant 0 : i32
        %scan3A_92 = arith.constant 64 : i32
        %scan3A_93 = arith.addi %scan3A_91, %scan3A_92 : i32
        %scan3A_94 = arith.constant 1 : i32
        scf.for %scan3A_96 = %scan3A_91 to %scan3A_93 step %scan3A_94  : i32 {
          %mul3A_97 = arith.constant 2 : i32
          %mul3A_98 = arith.muli %mul3A_97, %scan3A_96 : i32
          %broadcast_in_dim3A_99 = arith.constant 0 : i32
          %broadcast_in_dim3A_100 = vector.broadcast %broadcast_in_dim3A_99 : i32 to vector<16xi32>
          %add3A_101 = vector.broadcast %mul3A_98 : i32 to vector<16xi32>
          %add3A_102 = arith.addi %broadcast_in_dim3A_100, %add3A_101 : vector<16xi32>
          %gather3A = arith.constant 0 : i32
          %gather3A_103 = arith.constant 0 : i32
          %gather3A_104 = arith.constant 0 : i32
          %gather3A_105 = tpu.memref_slice %arg6[%gather3A, %gather3A_103, %gather3A_104] : memref<2x1x128xi32, #tpu.memory_space<vmem>> -> memref<1x1x128xi32, #tpu.memory_space<vmem>>
          %gather3A_106 = tpu.memref_squeeze %gather3A_105 : memref<1x1x128xi32, #tpu.memory_space<vmem>> -> memref<128xi32, #tpu.memory_space<vmem>>
          %gather3A_107 = tpu.vector_load_idx %gather3A_106[%add3A_102] : memref<128xi32, #tpu.memory_space<vmem>>[vector<16xi32>], vector<16xi32>,
          %sub3A_108 = vector.broadcast %mul3A_5 : i32 to vector<16xi32>
          %sub3A_109 = arith.subi %gather3A_107, %sub3A_108 : vector<16xi32>
          %ge3A = arith.constant 0 : i32
          %ge3A_110 = vector.broadcast %ge3A : i32 to vector<16xi32>
          %ge3A_111 = arith.cmpi sge, %sub3A_109, %ge3A_110 : vector<16xi32>
          %lt3A_112 = vector.broadcast %sub3A : i32 to vector<16xi32>
          %lt3A_113 = arith.cmpi slt, %sub3A_109, %lt3A_112 : vector<16xi32>
          %and3A = arith.andi %ge3A_111, %lt3A_113 : vector<16xi1>
          %and3A_114 = arith.constant 7 : i32
          %and3A_115 = vector.broadcast %and3A_114 : i32 to vector<16xi32>
          %and3A_116 = arith.andi %gather3A_107, %and3A_115 : vector<16xi32>
          %add3A_117 = arith.constant 320 : i32
          %add3A_118 = vector.broadcast %add3A_117 : i32 to vector<16xi32>
          %add3A_119 = arith.addi %add3A_118, %and3A_116 : vector<16xi32>
          %select_n3A = arith.select %and3A, %sub3A_109, %add3A_119 : vector<16xi1>, vector<16xi32>
          %broadcast_in_dim3A_120 = arith.constant 1 : i32
          %broadcast_in_dim3A_121 = vector.broadcast %broadcast_in_dim3A_120 : i32 to vector<16xi32>
          %add3A_122 = vector.broadcast %mul3A_98 : i32 to vector<16xi32>
          %add3A_123 = arith.addi %broadcast_in_dim3A_121, %add3A_122 : vector<16xi32>
          %gather3A_124 = arith.constant 0 : i32
          %gather3A_125 = arith.constant 0 : i32
          %gather3A_126 = arith.constant 0 : i32
          %gather3A_127 = tpu.memref_slice %arg6[%gather3A_124, %gather3A_125, %gather3A_126] : memref<2x1x128xi32, #tpu.memory_space<vmem>> -> memref<1x1x128xi32, #tpu.memory_space<vmem>>
          %gather3A_128 = tpu.memref_squeeze %gather3A_127 : memref<1x1x128xi32, #tpu.memory_space<vmem>> -> memref<128xi32, #tpu.memory_space<vmem>>
          %gather3A_129 = tpu.vector_load_idx %gather3A_128[%add3A_123] : memref<128xi32, #tpu.memory_space<vmem>>[vector<16xi32>], vector<16xi32>,
          %sub3A_130 = vector.broadcast %mul3A_5 : i32 to vector<16xi32>
          %sub3A_131 = arith.subi %gather3A_129, %sub3A_130 : vector<16xi32>
          %ge3A_132 = arith.constant 0 : i32
          %ge3A_133 = vector.broadcast %ge3A_132 : i32 to vector<16xi32>
          %ge3A_134 = arith.cmpi sge, %sub3A_131, %ge3A_133 : vector<16xi32>
          %lt3A_135 = vector.broadcast %sub3A : i32 to vector<16xi32>
          %lt3A_136 = arith.cmpi slt, %sub3A_131, %lt3A_135 : vector<16xi32>
          %and3A_137 = arith.andi %ge3A_134, %lt3A_136 : vector<16xi1>
          %and3A_138 = arith.constant 7 : i32
          %and3A_139 = vector.broadcast %and3A_138 : i32 to vector<16xi32>
          %and3A_140 = arith.andi %gather3A_129, %and3A_139 : vector<16xi32>
          %add3A_141 = arith.constant 320 : i32
          %add3A_142 = vector.broadcast %add3A_141 : i32 to vector<16xi32>
          %add3A_143 = arith.addi %add3A_142, %and3A_140 : vector<16xi32>
          %select_n3A_144 = arith.select %and3A_137, %sub3A_131, %add3A_143 : vector<16xi1>, vector<16xi32>
          %add3A_145 = arith.constant 0 : i32
          %add3A_146 = arith.addi %mul3A_98, %add3A_145 : i32
          %get3A = arith.constant 0 : i32
          %get3A_147 = arith.index_cast %get3A : i32 to index
          %get3A_148 = arith.index_cast %add3A_146 : i32 to index
          %get3A_149 = arith.constant 0 : index
          %get3A_150 = tpu.vector_load %arg5[%get3A_147, %get3A_148, %get3A_149] {strides = array<i32>} : memref<2x128x128xf32, #tpu.memory_space<vmem>>, vector<16xf32>,
          %add3A_151 = arith.constant 0 : i32
          %add3A_152 = arith.addi %mul3A_98, %add3A_151 : i32
          %get3A_153 = arith.constant 0 : i32
          %get3A_154 = arith.index_cast %get3A_153 : i32 to index
          %get3A_155 = arith.index_cast %add3A_152 : i32 to index
          %get3A_156 = arith.constant 16 : index
          %get3A_157 = tpu.vector_load %arg5[%get3A_154, %get3A_155, %get3A_156] {strides = array<i32>} : memref<2x128x128xf32, #tpu.memory_space<vmem>>, vector<16xf32>,
          %add3A_158 = arith.constant 0 : i32
          %add3A_159 = arith.addi %mul3A_98, %add3A_158 : i32
          %get3A_160 = arith.constant 0 : i32
          %get3A_161 = arith.index_cast %get3A_160 : i32 to index
          %get3A_162 = arith.index_cast %add3A_159 : i32 to index
          %get3A_163 = arith.constant 32 : index
          %get3A_164 = tpu.vector_load %arg5[%get3A_161, %get3A_162, %get3A_163] {strides = array<i32>} : memref<2x128x128xf32, #tpu.memory_space<vmem>>, vector<16xf32>,
          %add3A_165 = arith.constant 0 : i32
          %add3A_166 = arith.addi %mul3A_98, %add3A_165 : i32
          %get3A_167 = arith.constant 0 : i32
          %get3A_168 = arith.index_cast %get3A_167 : i32 to index
          %get3A_169 = arith.index_cast %add3A_166 : i32 to index
          %get3A_170 = arith.constant 48 : index
          %get3A_171 = tpu.vector_load %arg5[%get3A_168, %get3A_169, %get3A_170] {strides = array<i32>} : memref<2x128x128xf32, #tpu.memory_space<vmem>>, vector<16xf32>,
          %add3A_172 = arith.constant 0 : i32
          %add3A_173 = arith.addi %mul3A_98, %add3A_172 : i32
          %get3A_174 = arith.constant 0 : i32
          %get3A_175 = arith.index_cast %get3A_174 : i32 to index
          %get3A_176 = arith.index_cast %add3A_173 : i32 to index
          %get3A_177 = arith.constant 64 : index
          %get3A_178 = tpu.vector_load %arg5[%get3A_175, %get3A_176, %get3A_177] {strides = array<i32>} : memref<2x128x128xf32, #tpu.memory_space<vmem>>, vector<16xf32>,
          %add3A_179 = arith.constant 0 : i32
          %add3A_180 = arith.addi %mul3A_98, %add3A_179 : i32
          %get3A_181 = arith.constant 0 : i32
          %get3A_182 = arith.index_cast %get3A_181 : i32 to index
          %get3A_183 = arith.index_cast %add3A_180 : i32 to index
          %get3A_184 = arith.constant 80 : index
          %get3A_185 = tpu.vector_load %arg5[%get3A_182, %get3A_183, %get3A_184] {strides = array<i32>} : memref<2x128x128xf32, #tpu.memory_space<vmem>>, vector<16xf32>,
          %add3A_186 = arith.constant 0 : i32
          %add3A_187 = arith.addi %mul3A_98, %add3A_186 : i32
          %get3A_188 = arith.constant 0 : i32
          %get3A_189 = arith.index_cast %get3A_188 : i32 to index
          %get3A_190 = arith.index_cast %add3A_187 : i32 to index
          %get3A_191 = arith.constant 96 : index
          %get3A_192 = tpu.vector_load %arg5[%get3A_189, %get3A_190, %get3A_191] {strides = array<i32>} : memref<2x128x128xf32, #tpu.memory_space<vmem>>, vector<16xf32>,
          %add3A_193 = arith.constant 0 : i32
          %add3A_194 = arith.addi %mul3A_98, %add3A_193 : i32
          %get3A_195 = arith.constant 0 : i32
          %get3A_196 = arith.index_cast %get3A_195 : i32 to index
          %get3A_197 = arith.index_cast %add3A_194 : i32 to index
          %get3A_198 = arith.constant 112 : index
          %get3A_199 = tpu.vector_load %arg5[%get3A_196, %get3A_197, %get3A_198] {strides = array<i32>} : memref<2x128x128xf32, #tpu.memory_space<vmem>>, vector<16xf32>,
          %add3A_200 = arith.constant 1 : i32
          %add3A_201 = arith.addi %mul3A_98, %add3A_200 : i32
          %get3A_202 = arith.constant 0 : i32
          %get3A_203 = arith.index_cast %get3A_202 : i32 to index
          %get3A_204 = arith.index_cast %add3A_201 : i32 to index
          %get3A_205 = arith.constant 0 : index
          %get3A_206 = tpu.vector_load %arg5[%get3A_203, %get3A_204, %get3A_205] {strides = array<i32>} : memref<2x128x128xf32, #tpu.memory_space<vmem>>, vector<16xf32>,
          %add3A_207 = arith.constant 1 : i32
          %add3A_208 = arith.addi %mul3A_98, %add3A_207 : i32
          %get3A_209 = arith.constant 0 : i32
          %get3A_210 = arith.index_cast %get3A_209 : i32 to index
          %get3A_211 = arith.index_cast %add3A_208 : i32 to index
          %get3A_212 = arith.constant 16 : index
          %get3A_213 = tpu.vector_load %arg5[%get3A_210, %get3A_211, %get3A_212] {strides = array<i32>} : memref<2x128x128xf32, #tpu.memory_space<vmem>>, vector<16xf32>,
          %add3A_214 = arith.constant 1 : i32
          %add3A_215 = arith.addi %mul3A_98, %add3A_214 : i32
          %get3A_216 = arith.constant 0 : i32
          %get3A_217 = arith.index_cast %get3A_216 : i32 to index
          %get3A_218 = arith.index_cast %add3A_215 : i32 to index
          %get3A_219 = arith.constant 32 : index
          %get3A_220 = tpu.vector_load %arg5[%get3A_217, %get3A_218, %get3A_219] {strides = array<i32>} : memref<2x128x128xf32, #tpu.memory_space<vmem>>, vector<16xf32>,
          %add3A_221 = arith.constant 1 : i32
          %add3A_222 = arith.addi %mul3A_98, %add3A_221 : i32
          %get3A_223 = arith.constant 0 : i32
          %get3A_224 = arith.index_cast %get3A_223 : i32 to index
          %get3A_225 = arith.index_cast %add3A_222 : i32 to index
          %get3A_226 = arith.constant 48 : index
          %get3A_227 = tpu.vector_load %arg5[%get3A_224, %get3A_225, %get3A_226] {strides = array<i32>} : memref<2x128x128xf32, #tpu.memory_space<vmem>>, vector<16xf32>,
          %add3A_228 = arith.constant 1 : i32
          %add3A_229 = arith.addi %mul3A_98, %add3A_228 : i32
          %get3A_230 = arith.constant 0 : i32
          %get3A_231 = arith.index_cast %get3A_230 : i32 to index
          %get3A_232 = arith.index_cast %add3A_229 : i32 to index
          %get3A_233 = arith.constant 64 : index
          %get3A_234 = tpu.vector_load %arg5[%get3A_231, %get3A_232, %get3A_233] {strides = array<i32>} : memref<2x128x128xf32, #tpu.memory_space<vmem>>, vector<16xf32>,
          %add3A_235 = arith.constant 1 : i32
          %add3A_236 = arith.addi %mul3A_98, %add3A_235 : i32
          %get3A_237 = arith.constant 0 : i32
          %get3A_238 = arith.index_cast %get3A_237 : i32 to index
          %get3A_239 = arith.index_cast %add3A_236 : i32 to index
          %get3A_240 = arith.constant 80 : index
          %get3A_241 = tpu.vector_load %arg5[%get3A_238, %get3A_239, %get3A_240] {strides = array<i32>} : memref<2x128x128xf32, #tpu.memory_space<vmem>>, vector<16xf32>,
          %add3A_242 = arith.constant 1 : i32
          %add3A_243 = arith.addi %mul3A_98, %add3A_242 : i32
          %get3A_244 = arith.constant 0 : i32
          %get3A_245 = arith.index_cast %get3A_244 : i32 to index
          %get3A_246 = arith.index_cast %add3A_243 : i32 to index
          %get3A_247 = arith.constant 96 : index
          %get3A_248 = tpu.vector_load %arg5[%get3A_245, %get3A_246, %get3A_247] {strides = array<i32>} : memref<2x128x128xf32, #tpu.memory_space<vmem>>, vector<16xf32>,
          %add3A_249 = arith.constant 1 : i32
          %add3A_250 = arith.addi %mul3A_98, %add3A_249 : i32
          %get3A_251 = arith.constant 0 : i32
          %get3A_252 = arith.index_cast %get3A_251 : i32 to index
          %get3A_253 = arith.index_cast %add3A_250 : i32 to index
          %get3A_254 = arith.constant 112 : index
          %get3A_255 = tpu.vector_load %arg5[%get3A_252, %get3A_253, %get3A_254] {strides = array<i32>} : memref<2x128x128xf32, #tpu.memory_space<vmem>>, vector<16xf32>,
          %add3A_256 = arith.constant 0 : i32
          %add3A_257 = vector.broadcast %add3A_256 : i32 to vector<16xi32>
          %add3A_258 = arith.addi %add3A_257, %iota3A : vector<16xi32>
          tpu.vector_store_idx %arg7[%select_n3A, %add3A_258], %get3A_150 {add = true} : memref<328x128xf32, #tpu.memory_space<vmem>>[vector<16xi32>, vector<16xi32>], vector<16xf32>,
          %add3A_259 = arith.constant 0 : i32
          %add3A_260 = vector.broadcast %add3A_259 : i32 to vector<16xi32>
          %add3A_261 = arith.addi %add3A_260, %iota3A : vector<16xi32>
          tpu.vector_store_idx %arg7[%select_n3A_144, %add3A_261], %get3A_206 {add = true} : memref<328x128xf32, #tpu.memory_space<vmem>>[vector<16xi32>, vector<16xi32>], vector<16xf32>,
          %add3A_262 = arith.constant 16 : i32
          %add3A_263 = vector.broadcast %add3A_262 : i32 to vector<16xi32>
          %add3A_264 = arith.addi %add3A_263, %iota3A : vector<16xi32>
          tpu.vector_store_idx %arg7[%select_n3A, %add3A_264], %get3A_157 {add = true} : memref<328x128xf32, #tpu.memory_space<vmem>>[vector<16xi32>, vector<16xi32>], vector<16xf32>,
          %add3A_265 = arith.constant 16 : i32
          %add3A_266 = vector.broadcast %add3A_265 : i32 to vector<16xi32>
          %add3A_267 = arith.addi %add3A_266, %iota3A : vector<16xi32>
          tpu.vector_store_idx %arg7[%select_n3A_144, %add3A_267], %get3A_213 {add = true} : memref<328x128xf32, #tpu.memory_space<vmem>>[vector<16xi32>, vector<16xi32>], vector<16xf32>,
          %add3A_268 = arith.constant 32 : i32
          %add3A_269 = vector.broadcast %add3A_268 : i32 to vector<16xi32>
          %add3A_270 = arith.addi %add3A_269, %iota3A : vector<16xi32>
          tpu.vector_store_idx %arg7[%select_n3A, %add3A_270], %get3A_164 {add = true} : memref<328x128xf32, #tpu.memory_space<vmem>>[vector<16xi32>, vector<16xi32>], vector<16xf32>,
          %add3A_271 = arith.constant 32 : i32
          %add3A_272 = vector.broadcast %add3A_271 : i32 to vector<16xi32>
          %add3A_273 = arith.addi %add3A_272, %iota3A : vector<16xi32>
          tpu.vector_store_idx %arg7[%select_n3A_144, %add3A_273], %get3A_220 {add = true} : memref<328x128xf32, #tpu.memory_space<vmem>>[vector<16xi32>, vector<16xi32>], vector<16xf32>,
          %add3A_274 = arith.constant 48 : i32
          %add3A_275 = vector.broadcast %add3A_274 : i32 to vector<16xi32>
          %add3A_276 = arith.addi %add3A_275, %iota3A : vector<16xi32>
          tpu.vector_store_idx %arg7[%select_n3A, %add3A_276], %get3A_171 {add = true} : memref<328x128xf32, #tpu.memory_space<vmem>>[vector<16xi32>, vector<16xi32>], vector<16xf32>,
          %add3A_277 = arith.constant 48 : i32
          %add3A_278 = vector.broadcast %add3A_277 : i32 to vector<16xi32>
          %add3A_279 = arith.addi %add3A_278, %iota3A : vector<16xi32>
          tpu.vector_store_idx %arg7[%select_n3A_144, %add3A_279], %get3A_227 {add = true} : memref<328x128xf32, #tpu.memory_space<vmem>>[vector<16xi32>, vector<16xi32>], vector<16xf32>,
          %add3A_280 = arith.constant 64 : i32
          %add3A_281 = vector.broadcast %add3A_280 : i32 to vector<16xi32>
          %add3A_282 = arith.addi %add3A_281, %iota3A : vector<16xi32>
          tpu.vector_store_idx %arg7[%select_n3A, %add3A_282], %get3A_178 {add = true} : memref<328x128xf32, #tpu.memory_space<vmem>>[vector<16xi32>, vector<16xi32>], vector<16xf32>,
          %add3A_283 = arith.constant 64 : i32
          %add3A_284 = vector.broadcast %add3A_283 : i32 to vector<16xi32>
          %add3A_285 = arith.addi %add3A_284, %iota3A : vector<16xi32>
          tpu.vector_store_idx %arg7[%select_n3A_144, %add3A_285], %get3A_234 {add = true} : memref<328x128xf32, #tpu.memory_space<vmem>>[vector<16xi32>, vector<16xi32>], vector<16xf32>,
          %add3A_286 = arith.constant 80 : i32
          %add3A_287 = vector.broadcast %add3A_286 : i32 to vector<16xi32>
          %add3A_288 = arith.addi %add3A_287, %iota3A : vector<16xi32>
          tpu.vector_store_idx %arg7[%select_n3A, %add3A_288], %get3A_185 {add = true} : memref<328x128xf32, #tpu.memory_space<vmem>>[vector<16xi32>, vector<16xi32>], vector<16xf32>,
          %add3A_289 = arith.constant 80 : i32
          %add3A_290 = vector.broadcast %add3A_289 : i32 to vector<16xi32>
          %add3A_291 = arith.addi %add3A_290, %iota3A : vector<16xi32>
          tpu.vector_store_idx %arg7[%select_n3A_144, %add3A_291], %get3A_241 {add = true} : memref<328x128xf32, #tpu.memory_space<vmem>>[vector<16xi32>, vector<16xi32>], vector<16xf32>,
          %add3A_292 = arith.constant 96 : i32
          %add3A_293 = vector.broadcast %add3A_292 : i32 to vector<16xi32>
          %add3A_294 = arith.addi %add3A_293, %iota3A : vector<16xi32>
          tpu.vector_store_idx %arg7[%select_n3A, %add3A_294], %get3A_192 {add = true} : memref<328x128xf32, #tpu.memory_space<vmem>>[vector<16xi32>, vector<16xi32>], vector<16xf32>,
          %add3A_295 = arith.constant 96 : i32
          %add3A_296 = vector.broadcast %add3A_295 : i32 to vector<16xi32>
          %add3A_297 = arith.addi %add3A_296, %iota3A : vector<16xi32>
          tpu.vector_store_idx %arg7[%select_n3A_144, %add3A_297], %get3A_248 {add = true} : memref<328x128xf32, #tpu.memory_space<vmem>>[vector<16xi32>, vector<16xi32>], vector<16xf32>,
          %add3A_298 = arith.constant 112 : i32
          %add3A_299 = vector.broadcast %add3A_298 : i32 to vector<16xi32>
          %add3A_300 = arith.addi %add3A_299, %iota3A : vector<16xi32>
          tpu.vector_store_idx %arg7[%select_n3A, %add3A_300], %get3A_199 {add = true} : memref<328x128xf32, #tpu.memory_space<vmem>>[vector<16xi32>, vector<16xi32>], vector<16xf32>,
          %add3A_301 = arith.constant 112 : i32
          %add3A_302 = vector.broadcast %add3A_301 : i32 to vector<16xi32>
          %add3A_303 = arith.addi %add3A_302, %iota3A : vector<16xi32>
          tpu.vector_store_idx %arg7[%select_n3A_144, %add3A_303], %get3A_255 {add = true} : memref<328x128xf32, #tpu.memory_space<vmem>>[vector<16xi32>, vector<16xi32>], vector<16xf32>,
          %broadcast_in_dim3A_304 = arith.constant 1.000000e+00 : f32
          %broadcast_in_dim3A_305 = vector.broadcast %broadcast_in_dim3A_304 : f32 to vector<16xf32>
          tpu.vector_store_idx %arg8[%select_n3A, %iota3A], %broadcast_in_dim3A_305 {add = true} : memref<328x16xf32, #tpu.memory_space<vmem>>[vector<16xi32>, vector<16xi32>], vector<16xf32>,
          tpu.vector_store_idx %arg8[%select_n3A_144, %iota3A], %broadcast_in_dim3A_305 {add = true} : memref<328x16xf32, #tpu.memory_space<vmem>>[vector<16xi32>, vector<16xi32>], vector<16xf32>,
        }
        %scan3A_95 = arith.constant 64 : i32
      } else {
      }
      %add3A_78 = arith.constant 1 : i32
      %add3A_79 = arith.addi %add3A_74, %add3A_78 : i32
      %lt3A_80 = arith.cmpi slt, %add3A_79, %div3A_43 : i32
      %convert_element_type3A_81 = arith.extui %lt3A_80 : i1 to i32
      %cond3A_82 = arith.constant 0 : i32
      %cond3A_83 = arith.cmpi ne, %convert_element_type3A_81, %cond3A_82 : i32
      scf.if %cond3A_83 {
        %add3A_84 = arith.constant 1 : i32
        %add3A_85 = arith.addi %add3A_74, %add3A_84 : i32
        %mul3A_86 = arith.constant 128 : i32
        %mul3A_87 = arith.muli %add3A_85, %mul3A_86 : i32
        %run_scoped3A = arith.constant 1 : i32
        "tpu.region"() ({
          %run_scoped3A_98 = tpu.sem_alloc : memref<!tpu.dma_semaphore, #tpu.memory_space<semaphore_mem>>
          %dma_start3A = arith.constant 0 : i32
          %dma_start3A_99 = arith.constant 0 : i32
          %dma_start3A_100 = tpu.memref_slice %arg5[%run_scoped3A, %dma_start3A, %dma_start3A_99] : memref<2x128x128xf32, #tpu.memory_space<vmem>> -> memref<1x128x128xf32, #tpu.memory_space<vmem>>
          %dma_start3A_101 = tpu.memref_squeeze %dma_start3A_100 : memref<1x128x128xf32, #tpu.memory_space<vmem>> -> memref<128x128xf32, #tpu.memory_space<vmem>>
          %dma_start3A_102 = arith.constant 0 : i32
          %dma_start3A_103 = tpu.memref_slice %arg2[%mul3A_87, %dma_start3A_102] : memref<320000x128xf32, #tpu.memory_space<hbm>> -> memref<128x128xf32, #tpu.memory_space<hbm>>
          %dma_start3A_104 = arith.constant 0 : i32
          %dma_start3A_105 = arith.constant 0 : i32
          %dma_start3A_106 = tpu.memref_slice %arg5[%run_scoped3A, %dma_start3A_104, %dma_start3A_105] : memref<2x128x128xf32, #tpu.memory_space<vmem>> -> memref<1x128x128xf32, #tpu.memory_space<vmem>>
          %dma_start3A_107 = tpu.memref_squeeze %dma_start3A_106 : memref<1x128x128xf32, #tpu.memory_space<vmem>> -> memref<128x128xf32, #tpu.memory_space<vmem>>
          %dma_start3A_108 = arith.constant 0 : i32
          %dma_start3A_109 = tpu.memref_slice %arg2[%mul3A_87, %dma_start3A_108] : memref<320000x128xf32, #tpu.memory_space<hbm>> -> memref<128x128xf32, #tpu.memory_space<hbm>>
          tpu.enqueue_dma source(%dma_start3A_109 : memref<128x128xf32, #tpu.memory_space<hbm>>) target(%dma_start3A_107 : memref<128x128xf32, #tpu.memory_space<vmem>>) target_semaphore(%run_scoped3A_98 : memref<!tpu.dma_semaphore, #tpu.memory_space<semaphore_mem>>)
          %dma_wait3A = arith.constant 0 : i32
          %dma_wait3A_110 = arith.constant 0 : i32
          %dma_wait3A_111 = tpu.memref_slice %arg5[%run_scoped3A, %dma_wait3A, %dma_wait3A_110] : memref<2x128x128xf32, #tpu.memory_space<vmem>> -> memref<1x128x128xf32, #tpu.memory_space<vmem>>
          %dma_wait3A_112 = tpu.memref_squeeze %dma_wait3A_111 : memref<1x128x128xf32, #tpu.memory_space<vmem>> -> memref<128x128xf32, #tpu.memory_space<vmem>>
          %dma_wait3A_113 = arith.constant 0 : i32
          %dma_wait3A_114 = tpu.memref_slice %arg2[%mul3A_87, %dma_wait3A_113] : memref<320000x128xf32, #tpu.memory_space<hbm>> -> memref<128x128xf32, #tpu.memory_space<hbm>>
          %dma_wait3A_115 = arith.constant 0 : i32
          %dma_wait3A_116 = arith.constant 0 : i32
          %dma_wait3A_117 = tpu.memref_slice %arg5[%run_scoped3A, %dma_wait3A_115, %dma_wait3A_116] : memref<2x128x128xf32, #tpu.memory_space<vmem>> -> memref<1x128x128xf32, #tpu.memory_space<vmem>>
          %dma_wait3A_118 = tpu.memref_squeeze %dma_wait3A_117 : memref<1x128x128xf32, #tpu.memory_space<vmem>> -> memref<128x128xf32, #tpu.memory_space<vmem>>
          %dma_wait3A_119 = arith.constant 0 : i32
          %dma_wait3A_120 = tpu.memref_slice %arg2[%mul3A_87, %dma_wait3A_119] : memref<320000x128xf32, #tpu.memory_space<hbm>> -> memref<128x128xf32, #tpu.memory_space<hbm>>
          tpu.wait_dma2 semaphore(%run_scoped3A_98 : memref<!tpu.dma_semaphore, #tpu.memory_space<semaphore_mem>>) src(%dma_wait3A_120 : memref<128x128xf32, #tpu.memory_space<hbm>>) dst(%dma_wait3A_118 : memref<128x128xf32, #tpu.memory_space<vmem>>)
          tpu.yield
        }) : () -> ()
        %mul3A_88 = arith.constant 128 : i32
        %mul3A_89 = arith.muli %add3A_85, %mul3A_88 : i32
        %run_scoped3A_90 = arith.constant 1 : i32
        %run_scoped3A_91 = arith.constant 0 : i32
        "tpu.region"() ({
          %run_scoped3A_98 = tpu.sem_alloc : memref<!tpu.dma_semaphore, #tpu.memory_space<semaphore_mem>>
          %dma_start3A = arith.constant 0 : i32
          %dma_start3A_99 = tpu.memref_slice %arg6[%run_scoped3A_90, %run_scoped3A_91, %dma_start3A] : memref<2x1x128xi32, #tpu.memory_space<vmem>> -> memref<1x1x128xi32, #tpu.memory_space<vmem>>
          %dma_start3A_100 = tpu.memref_squeeze %dma_start3A_99 : memref<1x1x128xi32, #tpu.memory_space<vmem>> -> memref<128xi32, #tpu.memory_space<vmem>>
          %dma_start3A_101 = tpu.memref_slice %arg3[%mul3A_89] : memref<320000xi32, #tpu.memory_space<hbm>> -> memref<128xi32, #tpu.memory_space<hbm>>
          %dma_start3A_102 = arith.constant 0 : i32
          %dma_start3A_103 = tpu.memref_slice %arg6[%run_scoped3A_90, %run_scoped3A_91, %dma_start3A_102] : memref<2x1x128xi32, #tpu.memory_space<vmem>> -> memref<1x1x128xi32, #tpu.memory_space<vmem>>
          %dma_start3A_104 = tpu.memref_squeeze %dma_start3A_103 : memref<1x1x128xi32, #tpu.memory_space<vmem>> -> memref<128xi32, #tpu.memory_space<vmem>>
          %dma_start3A_105 = tpu.memref_slice %arg3[%mul3A_89] : memref<320000xi32, #tpu.memory_space<hbm>> -> memref<128xi32, #tpu.memory_space<hbm>>
          tpu.enqueue_dma source(%dma_start3A_105 : memref<128xi32, #tpu.memory_space<hbm>>) target(%dma_start3A_104 : memref<128xi32, #tpu.memory_space<vmem>>) target_semaphore(%run_scoped3A_98 : memref<!tpu.dma_semaphore, #tpu.memory_space<semaphore_mem>>)
          %dma_wait3A = arith.constant 0 : i32
          %dma_wait3A_106 = tpu.memref_slice %arg6[%run_scoped3A_90, %run_scoped3A_91, %dma_wait3A] : memref<2x1x128xi32, #tpu.memory_space<vmem>> -> memref<1x1x128xi32, #tpu.memory_space<vmem>>
          %dma_wait3A_107 = tpu.memref_squeeze %dma_wait3A_106 : memref<1x1x128xi32, #tpu.memory_space<vmem>> -> memref<128xi32, #tpu.memory_space<vmem>>
          %dma_wait3A_108 = tpu.memref_slice %arg3[%mul3A_89] : memref<320000xi32, #tpu.memory_space<hbm>> -> memref<128xi32, #tpu.memory_space<hbm>>
          %dma_wait3A_109 = arith.constant 0 : i32
          %dma_wait3A_110 = tpu.memref_slice %arg6[%run_scoped3A_90, %run_scoped3A_91, %dma_wait3A_109] : memref<2x1x128xi32, #tpu.memory_space<vmem>> -> memref<1x1x128xi32, #tpu.memory_space<vmem>>
          %dma_wait3A_111 = tpu.memref_squeeze %dma_wait3A_110 : memref<1x1x128xi32, #tpu.memory_space<vmem>> -> memref<128xi32, #tpu.memory_space<vmem>>
          %dma_wait3A_112 = tpu.memref_slice %arg3[%mul3A_89] : memref<320000xi32, #tpu.memory_space<hbm>> -> memref<128xi32, #tpu.memory_space<hbm>>
          tpu.wait_dma2 semaphore(%run_scoped3A_98 : memref<!tpu.dma_semaphore, #tpu.memory_space<semaphore_mem>>) src(%dma_wait3A_112 : memref<128xi32, #tpu.memory_space<hbm>>) dst(%dma_wait3A_111 : memref<128xi32, #tpu.memory_space<vmem>>)
          tpu.yield
        }) : () -> ()
        %scan3A_92 = arith.constant 0 : i32
        %scan3A_93 = arith.constant 0 : i32
        %scan3A_94 = arith.constant 64 : i32
        %scan3A_95 = arith.addi %scan3A_93, %scan3A_94 : i32
        %scan3A_96 = arith.constant 1 : i32
        scf.for %scan3A_98 = %scan3A_93 to %scan3A_95 step %scan3A_96  : i32 {
          %mul3A_99 = arith.constant 2 : i32
          %mul3A_100 = arith.muli %mul3A_99, %scan3A_98 : i32
          %broadcast_in_dim3A_101 = arith.constant 0 : i32
          %broadcast_in_dim3A_102 = vector.broadcast %broadcast_in_dim3A_101 : i32 to vector<16xi32>
          %add3A_103 = vector.broadcast %mul3A_100 : i32 to vector<16xi32>
          %add3A_104 = arith.addi %broadcast_in_dim3A_102, %add3A_103 : vector<16xi32>
          %gather3A = arith.constant 1 : i32
          %gather3A_105 = arith.constant 0 : i32
          %gather3A_106 = arith.constant 0 : i32
          %gather3A_107 = tpu.memref_slice %arg6[%gather3A, %gather3A_105, %gather3A_106] : memref<2x1x128xi32, #tpu.memory_space<vmem>> -> memref<1x1x128xi32, #tpu.memory_space<vmem>>
          %gather3A_108 = tpu.memref_squeeze %gather3A_107 : memref<1x1x128xi32, #tpu.memory_space<vmem>> -> memref<128xi32, #tpu.memory_space<vmem>>
          %gather3A_109 = tpu.vector_load_idx %gather3A_108[%add3A_104] : memref<128xi32, #tpu.memory_space<vmem>>[vector<16xi32>], vector<16xi32>,
          %sub3A_110 = vector.broadcast %mul3A_5 : i32 to vector<16xi32>
          %sub3A_111 = arith.subi %gather3A_109, %sub3A_110 : vector<16xi32>
          %ge3A = arith.constant 0 : i32
          %ge3A_112 = vector.broadcast %ge3A : i32 to vector<16xi32>
          %ge3A_113 = arith.cmpi sge, %sub3A_111, %ge3A_112 : vector<16xi32>
          %lt3A_114 = vector.broadcast %sub3A : i32 to vector<16xi32>
          %lt3A_115 = arith.cmpi slt, %sub3A_111, %lt3A_114 : vector<16xi32>
          %and3A = arith.andi %ge3A_113, %lt3A_115 : vector<16xi1>
          %and3A_116 = arith.constant 7 : i32
          %and3A_117 = vector.broadcast %and3A_116 : i32 to vector<16xi32>
          %and3A_118 = arith.andi %gather3A_109, %and3A_117 : vector<16xi32>
          %add3A_119 = arith.constant 320 : i32
          %add3A_120 = vector.broadcast %add3A_119 : i32 to vector<16xi32>
          %add3A_121 = arith.addi %add3A_120, %and3A_118 : vector<16xi32>
          %select_n3A = arith.select %and3A, %sub3A_111, %add3A_121 : vector<16xi1>, vector<16xi32>
          %broadcast_in_dim3A_122 = arith.constant 1 : i32
          %broadcast_in_dim3A_123 = vector.broadcast %broadcast_in_dim3A_122 : i32 to vector<16xi32>
          %add3A_124 = vector.broadcast %mul3A_100 : i32 to vector<16xi32>
          %add3A_125 = arith.addi %broadcast_in_dim3A_123, %add3A_124 : vector<16xi32>
          %gather3A_126 = arith.constant 1 : i32
          %gather3A_127 = arith.constant 0 : i32
          %gather3A_128 = arith.constant 0 : i32
          %gather3A_129 = tpu.memref_slice %arg6[%gather3A_126, %gather3A_127, %gather3A_128] : memref<2x1x128xi32, #tpu.memory_space<vmem>> -> memref<1x1x128xi32, #tpu.memory_space<vmem>>
          %gather3A_130 = tpu.memref_squeeze %gather3A_129 : memref<1x1x128xi32, #tpu.memory_space<vmem>> -> memref<128xi32, #tpu.memory_space<vmem>>
          %gather3A_131 = tpu.vector_load_idx %gather3A_130[%add3A_125] : memref<128xi32, #tpu.memory_space<vmem>>[vector<16xi32>], vector<16xi32>,
          %sub3A_132 = vector.broadcast %mul3A_5 : i32 to vector<16xi32>
          %sub3A_133 = arith.subi %gather3A_131, %sub3A_132 : vector<16xi32>
          %ge3A_134 = arith.constant 0 : i32
          %ge3A_135 = vector.broadcast %ge3A_134 : i32 to vector<16xi32>
          %ge3A_136 = arith.cmpi sge, %sub3A_133, %ge3A_135 : vector<16xi32>
          %lt3A_137 = vector.broadcast %sub3A : i32 to vector<16xi32>
          %lt3A_138 = arith.cmpi slt, %sub3A_133, %lt3A_137 : vector<16xi32>
          %and3A_139 = arith.andi %ge3A_136, %lt3A_138 : vector<16xi1>
          %and3A_140 = arith.constant 7 : i32
          %and3A_141 = vector.broadcast %and3A_140 : i32 to vector<16xi32>
          %and3A_142 = arith.andi %gather3A_131, %and3A_141 : vector<16xi32>
          %add3A_143 = arith.constant 320 : i32
          %add3A_144 = vector.broadcast %add3A_143 : i32 to vector<16xi32>
          %add3A_145 = arith.addi %add3A_144, %and3A_142 : vector<16xi32>
          %select_n3A_146 = arith.select %and3A_139, %sub3A_133, %add3A_145 : vector<16xi1>, vector<16xi32>
          %add3A_147 = arith.constant 0 : i32
          %add3A_148 = arith.addi %mul3A_100, %add3A_147 : i32
          %get3A = arith.constant 1 : i32
          %get3A_149 = arith.index_cast %get3A : i32 to index
          %get3A_150 = arith.index_cast %add3A_148 : i32 to index
          %get3A_151 = arith.constant 0 : index
          %get3A_152 = tpu.vector_load %arg5[%get3A_149, %get3A_150, %get3A_151] {strides = array<i32>} : memref<2x128x128xf32, #tpu.memory_space<vmem>>, vector<16xf32>,
          %add3A_153 = arith.constant 0 : i32
          %add3A_154 = arith.addi %mul3A_100, %add3A_153 : i32
          %get3A_155 = arith.constant 1 : i32
          %get3A_156 = arith.index_cast %get3A_155 : i32 to index
          %get3A_157 = arith.index_cast %add3A_154 : i32 to index
          %get3A_158 = arith.constant 16 : index
          %get3A_159 = tpu.vector_load %arg5[%get3A_156, %get3A_157, %get3A_158] {strides = array<i32>} : memref<2x128x128xf32, #tpu.memory_space<vmem>>, vector<16xf32>,
          %add3A_160 = arith.constant 0 : i32
          %add3A_161 = arith.addi %mul3A_100, %add3A_160 : i32
          %get3A_162 = arith.constant 1 : i32
          %get3A_163 = arith.index_cast %get3A_162 : i32 to index
          %get3A_164 = arith.index_cast %add3A_161 : i32 to index
          %get3A_165 = arith.constant 32 : index
          %get3A_166 = tpu.vector_load %arg5[%get3A_163, %get3A_164, %get3A_165] {strides = array<i32>} : memref<2x128x128xf32, #tpu.memory_space<vmem>>, vector<16xf32>,
          %add3A_167 = arith.constant 0 : i32
          %add3A_168 = arith.addi %mul3A_100, %add3A_167 : i32
          %get3A_169 = arith.constant 1 : i32
          %get3A_170 = arith.index_cast %get3A_169 : i32 to index
          %get3A_171 = arith.index_cast %add3A_168 : i32 to index
          %get3A_172 = arith.constant 48 : index
          %get3A_173 = tpu.vector_load %arg5[%get3A_170, %get3A_171, %get3A_172] {strides = array<i32>} : memref<2x128x128xf32, #tpu.memory_space<vmem>>, vector<16xf32>,
          %add3A_174 = arith.constant 0 : i32
          %add3A_175 = arith.addi %mul3A_100, %add3A_174 : i32
          %get3A_176 = arith.constant 1 : i32
          %get3A_177 = arith.index_cast %get3A_176 : i32 to index
          %get3A_178 = arith.index_cast %add3A_175 : i32 to index
          %get3A_179 = arith.constant 64 : index
          %get3A_180 = tpu.vector_load %arg5[%get3A_177, %get3A_178, %get3A_179] {strides = array<i32>} : memref<2x128x128xf32, #tpu.memory_space<vmem>>, vector<16xf32>,
          %add3A_181 = arith.constant 0 : i32
          %add3A_182 = arith.addi %mul3A_100, %add3A_181 : i32
          %get3A_183 = arith.constant 1 : i32
          %get3A_184 = arith.index_cast %get3A_183 : i32 to index
          %get3A_185 = arith.index_cast %add3A_182 : i32 to index
          %get3A_186 = arith.constant 80 : index
          %get3A_187 = tpu.vector_load %arg5[%get3A_184, %get3A_185, %get3A_186] {strides = array<i32>} : memref<2x128x128xf32, #tpu.memory_space<vmem>>, vector<16xf32>,
          %add3A_188 = arith.constant 0 : i32
          %add3A_189 = arith.addi %mul3A_100, %add3A_188 : i32
          %get3A_190 = arith.constant 1 : i32
          %get3A_191 = arith.index_cast %get3A_190 : i32 to index
          %get3A_192 = arith.index_cast %add3A_189 : i32 to index
          %get3A_193 = arith.constant 96 : index
          %get3A_194 = tpu.vector_load %arg5[%get3A_191, %get3A_192, %get3A_193] {strides = array<i32>} : memref<2x128x128xf32, #tpu.memory_space<vmem>>, vector<16xf32>,
          %add3A_195 = arith.constant 0 : i32
          %add3A_196 = arith.addi %mul3A_100, %add3A_195 : i32
          %get3A_197 = arith.constant 1 : i32
          %get3A_198 = arith.index_cast %get3A_197 : i32 to index
          %get3A_199 = arith.index_cast %add3A_196 : i32 to index
          %get3A_200 = arith.constant 112 : index
          %get3A_201 = tpu.vector_load %arg5[%get3A_198, %get3A_199, %get3A_200] {strides = array<i32>} : memref<2x128x128xf32, #tpu.memory_space<vmem>>, vector<16xf32>,
          %add3A_202 = arith.constant 1 : i32
          %add3A_203 = arith.addi %mul3A_100, %add3A_202 : i32
          %get3A_204 = arith.constant 1 : i32
          %get3A_205 = arith.index_cast %get3A_204 : i32 to index
          %get3A_206 = arith.index_cast %add3A_203 : i32 to index
          %get3A_207 = arith.constant 0 : index
          %get3A_208 = tpu.vector_load %arg5[%get3A_205, %get3A_206, %get3A_207] {strides = array<i32>} : memref<2x128x128xf32, #tpu.memory_space<vmem>>, vector<16xf32>,
          %add3A_209 = arith.constant 1 : i32
          %add3A_210 = arith.addi %mul3A_100, %add3A_209 : i32
          %get3A_211 = arith.constant 1 : i32
          %get3A_212 = arith.index_cast %get3A_211 : i32 to index
          %get3A_213 = arith.index_cast %add3A_210 : i32 to index
          %get3A_214 = arith.constant 16 : index
          %get3A_215 = tpu.vector_load %arg5[%get3A_212, %get3A_213, %get3A_214] {strides = array<i32>} : memref<2x128x128xf32, #tpu.memory_space<vmem>>, vector<16xf32>,
          %add3A_216 = arith.constant 1 : i32
          %add3A_217 = arith.addi %mul3A_100, %add3A_216 : i32
          %get3A_218 = arith.constant 1 : i32
          %get3A_219 = arith.index_cast %get3A_218 : i32 to index
          %get3A_220 = arith.index_cast %add3A_217 : i32 to index
          %get3A_221 = arith.constant 32 : index
          %get3A_222 = tpu.vector_load %arg5[%get3A_219, %get3A_220, %get3A_221] {strides = array<i32>} : memref<2x128x128xf32, #tpu.memory_space<vmem>>, vector<16xf32>,
          %add3A_223 = arith.constant 1 : i32
          %add3A_224 = arith.addi %mul3A_100, %add3A_223 : i32
          %get3A_225 = arith.constant 1 : i32
          %get3A_226 = arith.index_cast %get3A_225 : i32 to index
          %get3A_227 = arith.index_cast %add3A_224 : i32 to index
          %get3A_228 = arith.constant 48 : index
          %get3A_229 = tpu.vector_load %arg5[%get3A_226, %get3A_227, %get3A_228] {strides = array<i32>} : memref<2x128x128xf32, #tpu.memory_space<vmem>>, vector<16xf32>,
          %add3A_230 = arith.constant 1 : i32
          %add3A_231 = arith.addi %mul3A_100, %add3A_230 : i32
          %get3A_232 = arith.constant 1 : i32
          %get3A_233 = arith.index_cast %get3A_232 : i32 to index
          %get3A_234 = arith.index_cast %add3A_231 : i32 to index
          %get3A_235 = arith.constant 64 : index
          %get3A_236 = tpu.vector_load %arg5[%get3A_233, %get3A_234, %get3A_235] {strides = array<i32>} : memref<2x128x128xf32, #tpu.memory_space<vmem>>, vector<16xf32>,
          %add3A_237 = arith.constant 1 : i32
          %add3A_238 = arith.addi %mul3A_100, %add3A_237 : i32
          %get3A_239 = arith.constant 1 : i32
          %get3A_240 = arith.index_cast %get3A_239 : i32 to index
          %get3A_241 = arith.index_cast %add3A_238 : i32 to index
          %get3A_242 = arith.constant 80 : index
          %get3A_243 = tpu.vector_load %arg5[%get3A_240, %get3A_241, %get3A_242] {strides = array<i32>} : memref<2x128x128xf32, #tpu.memory_space<vmem>>, vector<16xf32>,
          %add3A_244 = arith.constant 1 : i32
          %add3A_245 = arith.addi %mul3A_100, %add3A_244 : i32
          %get3A_246 = arith.constant 1 : i32
          %get3A_247 = arith.index_cast %get3A_246 : i32 to index
          %get3A_248 = arith.index_cast %add3A_245 : i32 to index
          %get3A_249 = arith.constant 96 : index
          %get3A_250 = tpu.vector_load %arg5[%get3A_247, %get3A_248, %get3A_249] {strides = array<i32>} : memref<2x128x128xf32, #tpu.memory_space<vmem>>, vector<16xf32>,
          %add3A_251 = arith.constant 1 : i32
          %add3A_252 = arith.addi %mul3A_100, %add3A_251 : i32
          %get3A_253 = arith.constant 1 : i32
          %get3A_254 = arith.index_cast %get3A_253 : i32 to index
          %get3A_255 = arith.index_cast %add3A_252 : i32 to index
          %get3A_256 = arith.constant 112 : index
          %get3A_257 = tpu.vector_load %arg5[%get3A_254, %get3A_255, %get3A_256] {strides = array<i32>} : memref<2x128x128xf32, #tpu.memory_space<vmem>>, vector<16xf32>,
          %add3A_258 = arith.constant 0 : i32
          %add3A_259 = vector.broadcast %add3A_258 : i32 to vector<16xi32>
          %add3A_260 = arith.addi %add3A_259, %iota3A : vector<16xi32>
          tpu.vector_store_idx %arg7[%select_n3A, %add3A_260], %get3A_152 {add = true} : memref<328x128xf32, #tpu.memory_space<vmem>>[vector<16xi32>, vector<16xi32>], vector<16xf32>,
          %add3A_261 = arith.constant 0 : i32
          %add3A_262 = vector.broadcast %add3A_261 : i32 to vector<16xi32>
          %add3A_263 = arith.addi %add3A_262, %iota3A : vector<16xi32>
          tpu.vector_store_idx %arg7[%select_n3A_146, %add3A_263], %get3A_208 {add = true} : memref<328x128xf32, #tpu.memory_space<vmem>>[vector<16xi32>, vector<16xi32>], vector<16xf32>,
          %add3A_264 = arith.constant 16 : i32
          %add3A_265 = vector.broadcast %add3A_264 : i32 to vector<16xi32>
          %add3A_266 = arith.addi %add3A_265, %iota3A : vector<16xi32>
          tpu.vector_store_idx %arg7[%select_n3A, %add3A_266], %get3A_159 {add = true} : memref<328x128xf32, #tpu.memory_space<vmem>>[vector<16xi32>, vector<16xi32>], vector<16xf32>,
          %add3A_267 = arith.constant 16 : i32
          %add3A_268 = vector.broadcast %add3A_267 : i32 to vector<16xi32>
          %add3A_269 = arith.addi %add3A_268, %iota3A : vector<16xi32>
          tpu.vector_store_idx %arg7[%select_n3A_146, %add3A_269], %get3A_215 {add = true} : memref<328x128xf32, #tpu.memory_space<vmem>>[vector<16xi32>, vector<16xi32>], vector<16xf32>,
          %add3A_270 = arith.constant 32 : i32
          %add3A_271 = vector.broadcast %add3A_270 : i32 to vector<16xi32>
          %add3A_272 = arith.addi %add3A_271, %iota3A : vector<16xi32>
          tpu.vector_store_idx %arg7[%select_n3A, %add3A_272], %get3A_166 {add = true} : memref<328x128xf32, #tpu.memory_space<vmem>>[vector<16xi32>, vector<16xi32>], vector<16xf32>,
          %add3A_273 = arith.constant 32 : i32
          %add3A_274 = vector.broadcast %add3A_273 : i32 to vector<16xi32>
          %add3A_275 = arith.addi %add3A_274, %iota3A : vector<16xi32>
          tpu.vector_store_idx %arg7[%select_n3A_146, %add3A_275], %get3A_222 {add = true} : memref<328x128xf32, #tpu.memory_space<vmem>>[vector<16xi32>, vector<16xi32>], vector<16xf32>,
          %add3A_276 = arith.constant 48 : i32
          %add3A_277 = vector.broadcast %add3A_276 : i32 to vector<16xi32>
          %add3A_278 = arith.addi %add3A_277, %iota3A : vector<16xi32>
          tpu.vector_store_idx %arg7[%select_n3A, %add3A_278], %get3A_173 {add = true} : memref<328x128xf32, #tpu.memory_space<vmem>>[vector<16xi32>, vector<16xi32>], vector<16xf32>,
          %add3A_279 = arith.constant 48 : i32
          %add3A_280 = vector.broadcast %add3A_279 : i32 to vector<16xi32>
          %add3A_281 = arith.addi %add3A_280, %iota3A : vector<16xi32>
          tpu.vector_store_idx %arg7[%select_n3A_146, %add3A_281], %get3A_229 {add = true} : memref<328x128xf32, #tpu.memory_space<vmem>>[vector<16xi32>, vector<16xi32>], vector<16xf32>,
          %add3A_282 = arith.constant 64 : i32
          %add3A_283 = vector.broadcast %add3A_282 : i32 to vector<16xi32>
          %add3A_284 = arith.addi %add3A_283, %iota3A : vector<16xi32>
          tpu.vector_store_idx %arg7[%select_n3A, %add3A_284], %get3A_180 {add = true} : memref<328x128xf32, #tpu.memory_space<vmem>>[vector<16xi32>, vector<16xi32>], vector<16xf32>,
          %add3A_285 = arith.constant 64 : i32
          %add3A_286 = vector.broadcast %add3A_285 : i32 to vector<16xi32>
          %add3A_287 = arith.addi %add3A_286, %iota3A : vector<16xi32>
          tpu.vector_store_idx %arg7[%select_n3A_146, %add3A_287], %get3A_236 {add = true} : memref<328x128xf32, #tpu.memory_space<vmem>>[vector<16xi32>, vector<16xi32>], vector<16xf32>,
          %add3A_288 = arith.constant 80 : i32
          %add3A_289 = vector.broadcast %add3A_288 : i32 to vector<16xi32>
          %add3A_290 = arith.addi %add3A_289, %iota3A : vector<16xi32>
          tpu.vector_store_idx %arg7[%select_n3A, %add3A_290], %get3A_187 {add = true} : memref<328x128xf32, #tpu.memory_space<vmem>>[vector<16xi32>, vector<16xi32>], vector<16xf32>,
          %add3A_291 = arith.constant 80 : i32
          %add3A_292 = vector.broadcast %add3A_291 : i32 to vector<16xi32>
          %add3A_293 = arith.addi %add3A_292, %iota3A : vector<16xi32>
          tpu.vector_store_idx %arg7[%select_n3A_146, %add3A_293], %get3A_243 {add = true} : memref<328x128xf32, #tpu.memory_space<vmem>>[vector<16xi32>, vector<16xi32>], vector<16xf32>,
          %add3A_294 = arith.constant 96 : i32
          %add3A_295 = vector.broadcast %add3A_294 : i32 to vector<16xi32>
          %add3A_296 = arith.addi %add3A_295, %iota3A : vector<16xi32>
          tpu.vector_store_idx %arg7[%select_n3A, %add3A_296], %get3A_194 {add = true} : memref<328x128xf32, #tpu.memory_space<vmem>>[vector<16xi32>, vector<16xi32>], vector<16xf32>,
          %add3A_297 = arith.constant 96 : i32
          %add3A_298 = vector.broadcast %add3A_297 : i32 to vector<16xi32>
          %add3A_299 = arith.addi %add3A_298, %iota3A : vector<16xi32>
          tpu.vector_store_idx %arg7[%select_n3A_146, %add3A_299], %get3A_250 {add = true} : memref<328x128xf32, #tpu.memory_space<vmem>>[vector<16xi32>, vector<16xi32>], vector<16xf32>,
          %add3A_300 = arith.constant 112 : i32
          %add3A_301 = vector.broadcast %add3A_300 : i32 to vector<16xi32>
          %add3A_302 = arith.addi %add3A_301, %iota3A : vector<16xi32>
          tpu.vector_store_idx %arg7[%select_n3A, %add3A_302], %get3A_201 {add = true} : memref<328x128xf32, #tpu.memory_space<vmem>>[vector<16xi32>, vector<16xi32>], vector<16xf32>,
          %add3A_303 = arith.constant 112 : i32
          %add3A_304 = vector.broadcast %add3A_303 : i32 to vector<16xi32>
          %add3A_305 = arith.addi %add3A_304, %iota3A : vector<16xi32>
          tpu.vector_store_idx %arg7[%select_n3A_146, %add3A_305], %get3A_257 {add = true} : memref<328x128xf32, #tpu.memory_space<vmem>>[vector<16xi32>, vector<16xi32>], vector<16xf32>,
          %broadcast_in_dim3A_306 = arith.constant 1.000000e+00 : f32
          %broadcast_in_dim3A_307 = vector.broadcast %broadcast_in_dim3A_306 : f32 to vector<16xf32>
          tpu.vector_store_idx %arg8[%select_n3A, %iota3A], %broadcast_in_dim3A_307 {add = true} : memref<328x16xf32, #tpu.memory_space<vmem>>[vector<16xi32>, vector<16xi32>], vector<16xf32>,
          tpu.vector_store_idx %arg8[%select_n3A_146, %iota3A], %broadcast_in_dim3A_307 {add = true} : memref<328x16xf32, #tpu.memory_space<vmem>>[vector<16xi32>, vector<16xi32>], vector<16xf32>,
        }
        %scan3A_97 = arith.constant 64 : i32
      } else {
      }
    }
    %while3A_57 = arith.constant 1 : i32
    scf.for %while3A_71 = %while3A_55 to %while3A_51 step %while3A_57  : i32 {
      %mul3A_72 = arith.constant 2 : i32
      %mul3A_73 = arith.muli %mul3A_72, %while3A_71 : i32
      %add3A_74 = arith.addi %div3A_37, %mul3A_73 : i32
      %lt3A = arith.cmpi slt, %add3A_74, %div3A_43 : i32
      %convert_element_type3A_75 = arith.extui %lt3A : i1 to i32
      %cond3A_76 = arith.constant 0 : i32
      %cond3A_77 = arith.cmpi ne, %convert_element_type3A_75, %cond3A_76 : i32
      scf.if %cond3A_77 {
        %mul3A_84 = arith.constant 128 : i32
        %mul3A_85 = arith.muli %add3A_74, %mul3A_84 : i32
        %run_scoped3A = arith.constant 0 : i32
        "tpu.region"() ({
          %run_scoped3A_96 = tpu.sem_alloc : memref<!tpu.dma_semaphore, #tpu.memory_space<semaphore_mem>>
          %dma_start3A = arith.constant 0 : i32
          %dma_start3A_97 = arith.constant 0 : i32
          %dma_start3A_98 = tpu.memref_slice %arg5[%run_scoped3A, %dma_start3A, %dma_start3A_97] : memref<2x128x128xf32, #tpu.memory_space<vmem>> -> memref<1x128x128xf32, #tpu.memory_space<vmem>>
          %dma_start3A_99 = tpu.memref_squeeze %dma_start3A_98 : memref<1x128x128xf32, #tpu.memory_space<vmem>> -> memref<128x128xf32, #tpu.memory_space<vmem>>
          %dma_start3A_100 = arith.constant 0 : i32
          %dma_start3A_101 = tpu.memref_slice %arg2[%mul3A_85, %dma_start3A_100] : memref<320000x128xf32, #tpu.memory_space<hbm>> -> memref<128x128xf32, #tpu.memory_space<hbm>>
          %dma_start3A_102 = arith.constant 0 : i32
          %dma_start3A_103 = arith.constant 0 : i32
          %dma_start3A_104 = tpu.memref_slice %arg5[%run_scoped3A, %dma_start3A_102, %dma_start3A_103] : memref<2x128x128xf32, #tpu.memory_space<vmem>> -> memref<1x128x128xf32, #tpu.memory_space<vmem>>
          %dma_start3A_105 = tpu.memref_squeeze %dma_start3A_104 : memref<1x128x128xf32, #tpu.memory_space<vmem>> -> memref<128x128xf32, #tpu.memory_space<vmem>>
          %dma_start3A_106 = arith.constant 0 : i32
          %dma_start3A_107 = tpu.memref_slice %arg2[%mul3A_85, %dma_start3A_106] : memref<320000x128xf32, #tpu.memory_space<hbm>> -> memref<128x128xf32, #tpu.memory_space<hbm>>
          tpu.enqueue_dma source(%dma_start3A_107 : memref<128x128xf32, #tpu.memory_space<hbm>>) target(%dma_start3A_105 : memref<128x128xf32, #tpu.memory_space<vmem>>) target_semaphore(%run_scoped3A_96 : memref<!tpu.dma_semaphore, #tpu.memory_space<semaphore_mem>>)
          %dma_wait3A = arith.constant 0 : i32
          %dma_wait3A_108 = arith.constant 0 : i32
          %dma_wait3A_109 = tpu.memref_slice %arg5[%run_scoped3A, %dma_wait3A, %dma_wait3A_108] : memref<2x128x128xf32, #tpu.memory_space<vmem>> -> memref<1x128x128xf32, #tpu.memory_space<vmem>>
          %dma_wait3A_110 = tpu.memref_squeeze %dma_wait3A_109 : memref<1x128x128xf32, #tpu.memory_space<vmem>> -> memref<128x128xf32, #tpu.memory_space<vmem>>
          %dma_wait3A_111 = arith.constant 0 : i32
          %dma_wait3A_112 = tpu.memref_slice %arg2[%mul3A_85, %dma_wait3A_111] : memref<320000x128xf32, #tpu.memory_space<hbm>> -> memref<128x128xf32, #tpu.memory_space<hbm>>
          %dma_wait3A_113 = arith.constant 0 : i32
          %dma_wait3A_114 = arith.constant 0 : i32
          %dma_wait3A_115 = tpu.memref_slice %arg5[%run_scoped3A, %dma_wait3A_113, %dma_wait3A_114] : memref<2x128x128xf32, #tpu.memory_space<vmem>> -> memref<1x128x128xf32, #tpu.memory_space<vmem>>
          %dma_wait3A_116 = tpu.memref_squeeze %dma_wait3A_115 : memref<1x128x128xf32, #tpu.memory_space<vmem>> -> memref<128x128xf32, #tpu.memory_space<vmem>>
          %dma_wait3A_117 = arith.constant 0 : i32
          %dma_wait3A_118 = tpu.memref_slice %arg2[%mul3A_85, %dma_wait3A_117] : memref<320000x128xf32, #tpu.memory_space<hbm>> -> memref<128x128xf32, #tpu.memory_space<hbm>>
          tpu.wait_dma2 semaphore(%run_scoped3A_96 : memref<!tpu.dma_semaphore, #tpu.memory_space<semaphore_mem>>) src(%dma_wait3A_118 : memref<128x128xf32, #tpu.memory_space<hbm>>) dst(%dma_wait3A_116 : memref<128x128xf32, #tpu.memory_space<vmem>>)
          tpu.yield
        }) : () -> ()
        %mul3A_86 = arith.constant 128 : i32
        %mul3A_87 = arith.muli %add3A_74, %mul3A_86 : i32
        %run_scoped3A_88 = arith.constant 0 : i32
        %run_scoped3A_89 = arith.constant 0 : i32
        "tpu.region"() ({
          %run_scoped3A_96 = tpu.sem_alloc : memref<!tpu.dma_semaphore, #tpu.memory_space<semaphore_mem>>
          %dma_start3A = arith.constant 0 : i32
          %dma_start3A_97 = tpu.memref_slice %arg6[%run_scoped3A_88, %run_scoped3A_89, %dma_start3A] : memref<2x1x128xi32, #tpu.memory_space<vmem>> -> memref<1x1x128xi32, #tpu.memory_space<vmem>>
          %dma_start3A_98 = tpu.memref_squeeze %dma_start3A_97 : memref<1x1x128xi32, #tpu.memory_space<vmem>> -> memref<128xi32, #tpu.memory_space<vmem>>
          %dma_start3A_99 = tpu.memref_slice %arg3[%mul3A_87] : memref<320000xi32, #tpu.memory_space<hbm>> -> memref<128xi32, #tpu.memory_space<hbm>>
          %dma_start3A_100 = arith.constant 0 : i32
          %dma_start3A_101 = tpu.memref_slice %arg6[%run_scoped3A_88, %run_scoped3A_89, %dma_start3A_100] : memref<2x1x128xi32, #tpu.memory_space<vmem>> -> memref<1x1x128xi32, #tpu.memory_space<vmem>>
          %dma_start3A_102 = tpu.memref_squeeze %dma_start3A_101 : memref<1x1x128xi32, #tpu.memory_space<vmem>> -> memref<128xi32, #tpu.memory_space<vmem>>
          %dma_start3A_103 = tpu.memref_slice %arg3[%mul3A_87] : memref<320000xi32, #tpu.memory_space<hbm>> -> memref<128xi32, #tpu.memory_space<hbm>>
          tpu.enqueue_dma source(%dma_start3A_103 : memref<128xi32, #tpu.memory_space<hbm>>) target(%dma_start3A_102 : memref<128xi32, #tpu.memory_space<vmem>>) target_semaphore(%run_scoped3A_96 : memref<!tpu.dma_semaphore, #tpu.memory_space<semaphore_mem>>)
          %dma_wait3A = arith.constant 0 : i32
          %dma_wait3A_104 = tpu.memref_slice %arg6[%run_scoped3A_88, %run_scoped3A_89, %dma_wait3A] : memref<2x1x128xi32, #tpu.memory_space<vmem>> -> memref<1x1x128xi32, #tpu.memory_space<vmem>>
          %dma_wait3A_105 = tpu.memref_squeeze %dma_wait3A_104 : memref<1x1x128xi32, #tpu.memory_space<vmem>> -> memref<128xi32, #tpu.memory_space<vmem>>
          %dma_wait3A_106 = tpu.memref_slice %arg3[%mul3A_87] : memref<320000xi32, #tpu.memory_space<hbm>> -> memref<128xi32, #tpu.memory_space<hbm>>
          %dma_wait3A_107 = arith.constant 0 : i32
          %dma_wait3A_108 = tpu.memref_slice %arg6[%run_scoped3A_88, %run_scoped3A_89, %dma_wait3A_107] : memref<2x1x128xi32, #tpu.memory_space<vmem>> -> memref<1x1x128xi32, #tpu.memory_space<vmem>>
          %dma_wait3A_109 = tpu.memref_squeeze %dma_wait3A_108 : memref<1x1x128xi32, #tpu.memory_space<vmem>> -> memref<128xi32, #tpu.memory_space<vmem>>
          %dma_wait3A_110 = tpu.memref_slice %arg3[%mul3A_87] : memref<320000xi32, #tpu.memory_space<hbm>> -> memref<128xi32, #tpu.memory_space<hbm>>
          tpu.wait_dma2 semaphore(%run_scoped3A_96 : memref<!tpu.dma_semaphore, #tpu.memory_space<semaphore_mem>>) src(%dma_wait3A_110 : memref<128xi32, #tpu.memory_space<hbm>>) dst(%dma_wait3A_109 : memref<128xi32, #tpu.memory_space<vmem>>)
          tpu.yield
        }) : () -> ()
        %scan3A_90 = arith.constant 0 : i32
        %scan3A_91 = arith.constant 0 : i32
        %scan3A_92 = arith.constant 64 : i32
        %scan3A_93 = arith.addi %scan3A_91, %scan3A_92 : i32
        %scan3A_94 = arith.constant 1 : i32
        scf.for %scan3A_96 = %scan3A_91 to %scan3A_93 step %scan3A_94  : i32 {
          %mul3A_97 = arith.constant 2 : i32
          %mul3A_98 = arith.muli %mul3A_97, %scan3A_96 : i32
          %broadcast_in_dim3A_99 = arith.constant 0 : i32
          %broadcast_in_dim3A_100 = vector.broadcast %broadcast_in_dim3A_99 : i32 to vector<16xi32>
          %add3A_101 = vector.broadcast %mul3A_98 : i32 to vector<16xi32>
          %add3A_102 = arith.addi %broadcast_in_dim3A_100, %add3A_101 : vector<16xi32>
          %gather3A = arith.constant 0 : i32
          %gather3A_103 = arith.constant 0 : i32
          %gather3A_104 = arith.constant 0 : i32
          %gather3A_105 = tpu.memref_slice %arg6[%gather3A, %gather3A_103, %gather3A_104] : memref<2x1x128xi32, #tpu.memory_space<vmem>> -> memref<1x1x128xi32, #tpu.memory_space<vmem>>
          %gather3A_106 = tpu.memref_squeeze %gather3A_105 : memref<1x1x128xi32, #tpu.memory_space<vmem>> -> memref<128xi32, #tpu.memory_space<vmem>>
          %gather3A_107 = tpu.vector_load_idx %gather3A_106[%add3A_102] : memref<128xi32, #tpu.memory_space<vmem>>[vector<16xi32>], vector<16xi32>,
          %sub3A_108 = vector.broadcast %mul3A_5 : i32 to vector<16xi32>
          %sub3A_109 = arith.subi %gather3A_107, %sub3A_108 : vector<16xi32>
          %ge3A = arith.constant 0 : i32
          %ge3A_110 = vector.broadcast %ge3A : i32 to vector<16xi32>
          %ge3A_111 = arith.cmpi sge, %sub3A_109, %ge3A_110 : vector<16xi32>
          %lt3A_112 = vector.broadcast %sub3A : i32 to vector<16xi32>
          %lt3A_113 = arith.cmpi slt, %sub3A_109, %lt3A_112 : vector<16xi32>
          %and3A = arith.andi %ge3A_111, %lt3A_113 : vector<16xi1>
          %and3A_114 = arith.constant 7 : i32
          %and3A_115 = vector.broadcast %and3A_114 : i32 to vector<16xi32>
          %and3A_116 = arith.andi %gather3A_107, %and3A_115 : vector<16xi32>
          %add3A_117 = arith.constant 320 : i32
          %add3A_118 = vector.broadcast %add3A_117 : i32 to vector<16xi32>
          %add3A_119 = arith.addi %add3A_118, %and3A_116 : vector<16xi32>
          %select_n3A = arith.select %and3A, %sub3A_109, %add3A_119 : vector<16xi1>, vector<16xi32>
          %broadcast_in_dim3A_120 = arith.constant 1 : i32
          %broadcast_in_dim3A_121 = vector.broadcast %broadcast_in_dim3A_120 : i32 to vector<16xi32>
          %add3A_122 = vector.broadcast %mul3A_98 : i32 to vector<16xi32>
          %add3A_123 = arith.addi %broadcast_in_dim3A_121, %add3A_122 : vector<16xi32>
          %gather3A_124 = arith.constant 0 : i32
          %gather3A_125 = arith.constant 0 : i32
          %gather3A_126 = arith.constant 0 : i32
          %gather3A_127 = tpu.memref_slice %arg6[%gather3A_124, %gather3A_125, %gather3A_126] : memref<2x1x128xi32, #tpu.memory_space<vmem>> -> memref<1x1x128xi32, #tpu.memory_space<vmem>>
          %gather3A_128 = tpu.memref_squeeze %gather3A_127 : memref<1x1x128xi32, #tpu.memory_space<vmem>> -> memref<128xi32, #tpu.memory_space<vmem>>
          %gather3A_129 = tpu.vector_load_idx %gather3A_128[%add3A_123] : memref<128xi32, #tpu.memory_space<vmem>>[vector<16xi32>], vector<16xi32>,
          %sub3A_130 = vector.broadcast %mul3A_5 : i32 to vector<16xi32>
          %sub3A_131 = arith.subi %gather3A_129, %sub3A_130 : vector<16xi32>
          %ge3A_132 = arith.constant 0 : i32
          %ge3A_133 = vector.broadcast %ge3A_132 : i32 to vector<16xi32>
          %ge3A_134 = arith.cmpi sge, %sub3A_131, %ge3A_133 : vector<16xi32>
          %lt3A_135 = vector.broadcast %sub3A : i32 to vector<16xi32>
          %lt3A_136 = arith.cmpi slt, %sub3A_131, %lt3A_135 : vector<16xi32>
          %and3A_137 = arith.andi %ge3A_134, %lt3A_136 : vector<16xi1>
          %and3A_138 = arith.constant 7 : i32
          %and3A_139 = vector.broadcast %and3A_138 : i32 to vector<16xi32>
          %and3A_140 = arith.andi %gather3A_129, %and3A_139 : vector<16xi32>
          %add3A_141 = arith.constant 320 : i32
          %add3A_142 = vector.broadcast %add3A_141 : i32 to vector<16xi32>
          %add3A_143 = arith.addi %add3A_142, %and3A_140 : vector<16xi32>
          %select_n3A_144 = arith.select %and3A_137, %sub3A_131, %add3A_143 : vector<16xi1>, vector<16xi32>
          %add3A_145 = arith.constant 0 : i32
          %add3A_146 = arith.addi %mul3A_98, %add3A_145 : i32
          %get3A = arith.constant 0 : i32
          %get3A_147 = arith.index_cast %get3A : i32 to index
          %get3A_148 = arith.index_cast %add3A_146 : i32 to index
          %get3A_149 = arith.constant 0 : index
          %get3A_150 = tpu.vector_load %arg5[%get3A_147, %get3A_148, %get3A_149] {strides = array<i32>} : memref<2x128x128xf32, #tpu.memory_space<vmem>>, vector<16xf32>,
          %add3A_151 = arith.constant 0 : i32
          %add3A_152 = arith.addi %mul3A_98, %add3A_151 : i32
          %get3A_153 = arith.constant 0 : i32
          %get3A_154 = arith.index_cast %get3A_153 : i32 to index
          %get3A_155 = arith.index_cast %add3A_152 : i32 to index
          %get3A_156 = arith.constant 16 : index
          %get3A_157 = tpu.vector_load %arg5[%get3A_154, %get3A_155, %get3A_156] {strides = array<i32>} : memref<2x128x128xf32, #tpu.memory_space<vmem>>, vector<16xf32>,
          %add3A_158 = arith.constant 0 : i32
          %add3A_159 = arith.addi %mul3A_98, %add3A_158 : i32
          %get3A_160 = arith.constant 0 : i32
          %get3A_161 = arith.index_cast %get3A_160 : i32 to index
          %get3A_162 = arith.index_cast %add3A_159 : i32 to index
          %get3A_163 = arith.constant 32 : index
          %get3A_164 = tpu.vector_load %arg5[%get3A_161, %get3A_162, %get3A_163] {strides = array<i32>} : memref<2x128x128xf32, #tpu.memory_space<vmem>>, vector<16xf32>,
          %add3A_165 = arith.constant 0 : i32
          %add3A_166 = arith.addi %mul3A_98, %add3A_165 : i32
          %get3A_167 = arith.constant 0 : i32
          %get3A_168 = arith.index_cast %get3A_167 : i32 to index
          %get3A_169 = arith.index_cast %add3A_166 : i32 to index
          %get3A_170 = arith.constant 48 : index
          %get3A_171 = tpu.vector_load %arg5[%get3A_168, %get3A_169, %get3A_170] {strides = array<i32>} : memref<2x128x128xf32, #tpu.memory_space<vmem>>, vector<16xf32>,
          %add3A_172 = arith.constant 0 : i32
          %add3A_173 = arith.addi %mul3A_98, %add3A_172 : i32
          %get3A_174 = arith.constant 0 : i32
          %get3A_175 = arith.index_cast %get3A_174 : i32 to index
          %get3A_176 = arith.index_cast %add3A_173 : i32 to index
          %get3A_177 = arith.constant 64 : index
          %get3A_178 = tpu.vector_load %arg5[%get3A_175, %get3A_176, %get3A_177] {strides = array<i32>} : memref<2x128x128xf32, #tpu.memory_space<vmem>>, vector<16xf32>,
          %add3A_179 = arith.constant 0 : i32
          %add3A_180 = arith.addi %mul3A_98, %add3A_179 : i32
          %get3A_181 = arith.constant 0 : i32
          %get3A_182 = arith.index_cast %get3A_181 : i32 to index
          %get3A_183 = arith.index_cast %add3A_180 : i32 to index
          %get3A_184 = arith.constant 80 : index
          %get3A_185 = tpu.vector_load %arg5[%get3A_182, %get3A_183, %get3A_184] {strides = array<i32>} : memref<2x128x128xf32, #tpu.memory_space<vmem>>, vector<16xf32>,
          %add3A_186 = arith.constant 0 : i32
          %add3A_187 = arith.addi %mul3A_98, %add3A_186 : i32
          %get3A_188 = arith.constant 0 : i32
          %get3A_189 = arith.index_cast %get3A_188 : i32 to index
          %get3A_190 = arith.index_cast %add3A_187 : i32 to index
          %get3A_191 = arith.constant 96 : index
          %get3A_192 = tpu.vector_load %arg5[%get3A_189, %get3A_190, %get3A_191] {strides = array<i32>} : memref<2x128x128xf32, #tpu.memory_space<vmem>>, vector<16xf32>,
          %add3A_193 = arith.constant 0 : i32
          %add3A_194 = arith.addi %mul3A_98, %add3A_193 : i32
          %get3A_195 = arith.constant 0 : i32
          %get3A_196 = arith.index_cast %get3A_195 : i32 to index
          %get3A_197 = arith.index_cast %add3A_194 : i32 to index
          %get3A_198 = arith.constant 112 : index
          %get3A_199 = tpu.vector_load %arg5[%get3A_196, %get3A_197, %get3A_198] {strides = array<i32>} : memref<2x128x128xf32, #tpu.memory_space<vmem>>, vector<16xf32>,
          %add3A_200 = arith.constant 1 : i32
          %add3A_201 = arith.addi %mul3A_98, %add3A_200 : i32
          %get3A_202 = arith.constant 0 : i32
          %get3A_203 = arith.index_cast %get3A_202 : i32 to index
          %get3A_204 = arith.index_cast %add3A_201 : i32 to index
          %get3A_205 = arith.constant 0 : index
          %get3A_206 = tpu.vector_load %arg5[%get3A_203, %get3A_204, %get3A_205] {strides = array<i32>} : memref<2x128x128xf32, #tpu.memory_space<vmem>>, vector<16xf32>,
          %add3A_207 = arith.constant 1 : i32
          %add3A_208 = arith.addi %mul3A_98, %add3A_207 : i32
          %get3A_209 = arith.constant 0 : i32
          %get3A_210 = arith.index_cast %get3A_209 : i32 to index
          %get3A_211 = arith.index_cast %add3A_208 : i32 to index
          %get3A_212 = arith.constant 16 : index
          %get3A_213 = tpu.vector_load %arg5[%get3A_210, %get3A_211, %get3A_212] {strides = array<i32>} : memref<2x128x128xf32, #tpu.memory_space<vmem>>, vector<16xf32>,
          %add3A_214 = arith.constant 1 : i32
          %add3A_215 = arith.addi %mul3A_98, %add3A_214 : i32
          %get3A_216 = arith.constant 0 : i32
          %get3A_217 = arith.index_cast %get3A_216 : i32 to index
          %get3A_218 = arith.index_cast %add3A_215 : i32 to index
          %get3A_219 = arith.constant 32 : index
          %get3A_220 = tpu.vector_load %arg5[%get3A_217, %get3A_218, %get3A_219] {strides = array<i32>} : memref<2x128x128xf32, #tpu.memory_space<vmem>>, vector<16xf32>,
          %add3A_221 = arith.constant 1 : i32
          %add3A_222 = arith.addi %mul3A_98, %add3A_221 : i32
          %get3A_223 = arith.constant 0 : i32
          %get3A_224 = arith.index_cast %get3A_223 : i32 to index
          %get3A_225 = arith.index_cast %add3A_222 : i32 to index
          %get3A_226 = arith.constant 48 : index
          %get3A_227 = tpu.vector_load %arg5[%get3A_224, %get3A_225, %get3A_226] {strides = array<i32>} : memref<2x128x128xf32, #tpu.memory_space<vmem>>, vector<16xf32>,
          %add3A_228 = arith.constant 1 : i32
          %add3A_229 = arith.addi %mul3A_98, %add3A_228 : i32
          %get3A_230 = arith.constant 0 : i32
          %get3A_231 = arith.index_cast %get3A_230 : i32 to index
          %get3A_232 = arith.index_cast %add3A_229 : i32 to index
          %get3A_233 = arith.constant 64 : index
          %get3A_234 = tpu.vector_load %arg5[%get3A_231, %get3A_232, %get3A_233] {strides = array<i32>} : memref<2x128x128xf32, #tpu.memory_space<vmem>>, vector<16xf32>,
          %add3A_235 = arith.constant 1 : i32
          %add3A_236 = arith.addi %mul3A_98, %add3A_235 : i32
          %get3A_237 = arith.constant 0 : i32
          %get3A_238 = arith.index_cast %get3A_237 : i32 to index
          %get3A_239 = arith.index_cast %add3A_236 : i32 to index
          %get3A_240 = arith.constant 80 : index
          %get3A_241 = tpu.vector_load %arg5[%get3A_238, %get3A_239, %get3A_240] {strides = array<i32>} : memref<2x128x128xf32, #tpu.memory_space<vmem>>, vector<16xf32>,
          %add3A_242 = arith.constant 1 : i32
          %add3A_243 = arith.addi %mul3A_98, %add3A_242 : i32
          %get3A_244 = arith.constant 0 : i32
          %get3A_245 = arith.index_cast %get3A_244 : i32 to index
          %get3A_246 = arith.index_cast %add3A_243 : i32 to index
          %get3A_247 = arith.constant 96 : index
          %get3A_248 = tpu.vector_load %arg5[%get3A_245, %get3A_246, %get3A_247] {strides = array<i32>} : memref<2x128x128xf32, #tpu.memory_space<vmem>>, vector<16xf32>,
          %add3A_249 = arith.constant 1 : i32
          %add3A_250 = arith.addi %mul3A_98, %add3A_249 : i32
          %get3A_251 = arith.constant 0 : i32
          %get3A_252 = arith.index_cast %get3A_251 : i32 to index
          %get3A_253 = arith.index_cast %add3A_250 : i32 to index
          %get3A_254 = arith.constant 112 : index
          %get3A_255 = tpu.vector_load %arg5[%get3A_252, %get3A_253, %get3A_254] {strides = array<i32>} : memref<2x128x128xf32, #tpu.memory_space<vmem>>, vector<16xf32>,
          %add3A_256 = arith.constant 0 : i32
          %add3A_257 = vector.broadcast %add3A_256 : i32 to vector<16xi32>
          %add3A_258 = arith.addi %add3A_257, %iota3A : vector<16xi32>
          tpu.vector_store_idx %arg7[%select_n3A, %add3A_258], %get3A_150 {add = true} : memref<328x128xf32, #tpu.memory_space<vmem>>[vector<16xi32>, vector<16xi32>], vector<16xf32>,
          %add3A_259 = arith.constant 0 : i32
          %add3A_260 = vector.broadcast %add3A_259 : i32 to vector<16xi32>
          %add3A_261 = arith.addi %add3A_260, %iota3A : vector<16xi32>
          tpu.vector_store_idx %arg7[%select_n3A_144, %add3A_261], %get3A_206 {add = true} : memref<328x128xf32, #tpu.memory_space<vmem>>[vector<16xi32>, vector<16xi32>], vector<16xf32>,
          %add3A_262 = arith.constant 16 : i32
          %add3A_263 = vector.broadcast %add3A_262 : i32 to vector<16xi32>
          %add3A_264 = arith.addi %add3A_263, %iota3A : vector<16xi32>
          tpu.vector_store_idx %arg7[%select_n3A, %add3A_264], %get3A_157 {add = true} : memref<328x128xf32, #tpu.memory_space<vmem>>[vector<16xi32>, vector<16xi32>], vector<16xf32>,
          %add3A_265 = arith.constant 16 : i32
          %add3A_266 = vector.broadcast %add3A_265 : i32 to vector<16xi32>
          %add3A_267 = arith.addi %add3A_266, %iota3A : vector<16xi32>
          tpu.vector_store_idx %arg7[%select_n3A_144, %add3A_267], %get3A_213 {add = true} : memref<328x128xf32, #tpu.memory_space<vmem>>[vector<16xi32>, vector<16xi32>], vector<16xf32>,
          %add3A_268 = arith.constant 32 : i32
          %add3A_269 = vector.broadcast %add3A_268 : i32 to vector<16xi32>
          %add3A_270 = arith.addi %add3A_269, %iota3A : vector<16xi32>
          tpu.vector_store_idx %arg7[%select_n3A, %add3A_270], %get3A_164 {add = true} : memref<328x128xf32, #tpu.memory_space<vmem>>[vector<16xi32>, vector<16xi32>], vector<16xf32>,
          %add3A_271 = arith.constant 32 : i32
          %add3A_272 = vector.broadcast %add3A_271 : i32 to vector<16xi32>
          %add3A_273 = arith.addi %add3A_272, %iota3A : vector<16xi32>
          tpu.vector_store_idx %arg7[%select_n3A_144, %add3A_273], %get3A_220 {add = true} : memref<328x128xf32, #tpu.memory_space<vmem>>[vector<16xi32>, vector<16xi32>], vector<16xf32>,
          %add3A_274 = arith.constant 48 : i32
          %add3A_275 = vector.broadcast %add3A_274 : i32 to vector<16xi32>
          %add3A_276 = arith.addi %add3A_275, %iota3A : vector<16xi32>
          tpu.vector_store_idx %arg7[%select_n3A, %add3A_276], %get3A_171 {add = true} : memref<328x128xf32, #tpu.memory_space<vmem>>[vector<16xi32>, vector<16xi32>], vector<16xf32>,
          %add3A_277 = arith.constant 48 : i32
          %add3A_278 = vector.broadcast %add3A_277 : i32 to vector<16xi32>
          %add3A_279 = arith.addi %add3A_278, %iota3A : vector<16xi32>
          tpu.vector_store_idx %arg7[%select_n3A_144, %add3A_279], %get3A_227 {add = true} : memref<328x128xf32, #tpu.memory_space<vmem>>[vector<16xi32>, vector<16xi32>], vector<16xf32>,
          %add3A_280 = arith.constant 64 : i32
          %add3A_281 = vector.broadcast %add3A_280 : i32 to vector<16xi32>
          %add3A_282 = arith.addi %add3A_281, %iota3A : vector<16xi32>
          tpu.vector_store_idx %arg7[%select_n3A, %add3A_282], %get3A_178 {add = true} : memref<328x128xf32, #tpu.memory_space<vmem>>[vector<16xi32>, vector<16xi32>], vector<16xf32>,
          %add3A_283 = arith.constant 64 : i32
          %add3A_284 = vector.broadcast %add3A_283 : i32 to vector<16xi32>
          %add3A_285 = arith.addi %add3A_284, %iota3A : vector<16xi32>
          tpu.vector_store_idx %arg7[%select_n3A_144, %add3A_285], %get3A_234 {add = true} : memref<328x128xf32, #tpu.memory_space<vmem>>[vector<16xi32>, vector<16xi32>], vector<16xf32>,
          %add3A_286 = arith.constant 80 : i32
          %add3A_287 = vector.broadcast %add3A_286 : i32 to vector<16xi32>
          %add3A_288 = arith.addi %add3A_287, %iota3A : vector<16xi32>
          tpu.vector_store_idx %arg7[%select_n3A, %add3A_288], %get3A_185 {add = true} : memref<328x128xf32, #tpu.memory_space<vmem>>[vector<16xi32>, vector<16xi32>], vector<16xf32>,
          %add3A_289 = arith.constant 80 : i32
          %add3A_290 = vector.broadcast %add3A_289 : i32 to vector<16xi32>
          %add3A_291 = arith.addi %add3A_290, %iota3A : vector<16xi32>
          tpu.vector_store_idx %arg7[%select_n3A_144, %add3A_291], %get3A_241 {add = true} : memref<328x128xf32, #tpu.memory_space<vmem>>[vector<16xi32>, vector<16xi32>], vector<16xf32>,
          %add3A_292 = arith.constant 96 : i32
          %add3A_293 = vector.broadcast %add3A_292 : i32 to vector<16xi32>
          %add3A_294 = arith.addi %add3A_293, %iota3A : vector<16xi32>
          tpu.vector_store_idx %arg7[%select_n3A, %add3A_294], %get3A_192 {add = true} : memref<328x128xf32, #tpu.memory_space<vmem>>[vector<16xi32>, vector<16xi32>], vector<16xf32>,
          %add3A_295 = arith.constant 96 : i32
          %add3A_296 = vector.broadcast %add3A_295 : i32 to vector<16xi32>
          %add3A_297 = arith.addi %add3A_296, %iota3A : vector<16xi32>
          tpu.vector_store_idx %arg7[%select_n3A_144, %add3A_297], %get3A_248 {add = true} : memref<328x128xf32, #tpu.memory_space<vmem>>[vector<16xi32>, vector<16xi32>], vector<16xf32>,
          %add3A_298 = arith.constant 112 : i32
          %add3A_299 = vector.broadcast %add3A_298 : i32 to vector<16xi32>
          %add3A_300 = arith.addi %add3A_299, %iota3A : vector<16xi32>
          tpu.vector_store_idx %arg7[%select_n3A, %add3A_300], %get3A_199 {add = true} : memref<328x128xf32, #tpu.memory_space<vmem>>[vector<16xi32>, vector<16xi32>], vector<16xf32>,
          %add3A_301 = arith.constant 112 : i32
          %add3A_302 = vector.broadcast %add3A_301 : i32 to vector<16xi32>
          %add3A_303 = arith.addi %add3A_302, %iota3A : vector<16xi32>
          tpu.vector_store_idx %arg7[%select_n3A_144, %add3A_303], %get3A_255 {add = true} : memref<328x128xf32, #tpu.memory_space<vmem>>[vector<16xi32>, vector<16xi32>], vector<16xf32>,
          %broadcast_in_dim3A_304 = arith.constant 1.000000e+00 : f32
          %broadcast_in_dim3A_305 = vector.broadcast %broadcast_in_dim3A_304 : f32 to vector<16xf32>
          tpu.vector_store_idx %arg8[%select_n3A, %iota3A], %broadcast_in_dim3A_305 {add = true} : memref<328x16xf32, #tpu.memory_space<vmem>>[vector<16xi32>, vector<16xi32>], vector<16xf32>,
          tpu.vector_store_idx %arg8[%select_n3A_144, %iota3A], %broadcast_in_dim3A_305 {add = true} : memref<328x16xf32, #tpu.memory_space<vmem>>[vector<16xi32>, vector<16xi32>], vector<16xf32>,
        }
        %scan3A_95 = arith.constant 64 : i32
      } else {
      }
      %add3A_78 = arith.constant 1 : i32
      %add3A_79 = arith.addi %add3A_74, %add3A_78 : i32
      %lt3A_80 = arith.cmpi slt, %add3A_79, %div3A_43 : i32
      %convert_element_type3A_81 = arith.extui %lt3A_80 : i1 to i32
      %cond3A_82 = arith.constant 0 : i32
      %cond3A_83 = arith.cmpi ne, %convert_element_type3A_81, %cond3A_82 : i32
      scf.if %cond3A_83 {
        %add3A_84 = arith.constant 1 : i32
        %add3A_85 = arith.addi %add3A_74, %add3A_84 : i32
        %mul3A_86 = arith.constant 128 : i32
        %mul3A_87 = arith.muli %add3A_85, %mul3A_86 : i32
        %run_scoped3A = arith.constant 1 : i32
        "tpu.region"() ({
          %run_scoped3A_98 = tpu.sem_alloc : memref<!tpu.dma_semaphore, #tpu.memory_space<semaphore_mem>>
          %dma_start3A = arith.constant 0 : i32
          %dma_start3A_99 = arith.constant 0 : i32
          %dma_start3A_100 = tpu.memref_slice %arg5[%run_scoped3A, %dma_start3A, %dma_start3A_99] : memref<2x128x128xf32, #tpu.memory_space<vmem>> -> memref<1x128x128xf32, #tpu.memory_space<vmem>>
          %dma_start3A_101 = tpu.memref_squeeze %dma_start3A_100 : memref<1x128x128xf32, #tpu.memory_space<vmem>> -> memref<128x128xf32, #tpu.memory_space<vmem>>
          %dma_start3A_102 = arith.constant 0 : i32
          %dma_start3A_103 = tpu.memref_slice %arg2[%mul3A_87, %dma_start3A_102] : memref<320000x128xf32, #tpu.memory_space<hbm>> -> memref<128x128xf32, #tpu.memory_space<hbm>>
          %dma_start3A_104 = arith.constant 0 : i32
          %dma_start3A_105 = arith.constant 0 : i32
          %dma_start3A_106 = tpu.memref_slice %arg5[%run_scoped3A, %dma_start3A_104, %dma_start3A_105] : memref<2x128x128xf32, #tpu.memory_space<vmem>> -> memref<1x128x128xf32, #tpu.memory_space<vmem>>
          %dma_start3A_107 = tpu.memref_squeeze %dma_start3A_106 : memref<1x128x128xf32, #tpu.memory_space<vmem>> -> memref<128x128xf32, #tpu.memory_space<vmem>>
          %dma_start3A_108 = arith.constant 0 : i32
          %dma_start3A_109 = tpu.memref_slice %arg2[%mul3A_87, %dma_start3A_108] : memref<320000x128xf32, #tpu.memory_space<hbm>> -> memref<128x128xf32, #tpu.memory_space<hbm>>
          tpu.enqueue_dma source(%dma_start3A_109 : memref<128x128xf32, #tpu.memory_space<hbm>>) target(%dma_start3A_107 : memref<128x128xf32, #tpu.memory_space<vmem>>) target_semaphore(%run_scoped3A_98 : memref<!tpu.dma_semaphore, #tpu.memory_space<semaphore_mem>>)
          %dma_wait3A = arith.constant 0 : i32
          %dma_wait3A_110 = arith.constant 0 : i32
          %dma_wait3A_111 = tpu.memref_slice %arg5[%run_scoped3A, %dma_wait3A, %dma_wait3A_110] : memref<2x128x128xf32, #tpu.memory_space<vmem>> -> memref<1x128x128xf32, #tpu.memory_space<vmem>>
          %dma_wait3A_112 = tpu.memref_squeeze %dma_wait3A_111 : memref<1x128x128xf32, #tpu.memory_space<vmem>> -> memref<128x128xf32, #tpu.memory_space<vmem>>
          %dma_wait3A_113 = arith.constant 0 : i32
          %dma_wait3A_114 = tpu.memref_slice %arg2[%mul3A_87, %dma_wait3A_113] : memref<320000x128xf32, #tpu.memory_space<hbm>> -> memref<128x128xf32, #tpu.memory_space<hbm>>
          %dma_wait3A_115 = arith.constant 0 : i32
          %dma_wait3A_116 = arith.constant 0 : i32
          %dma_wait3A_117 = tpu.memref_slice %arg5[%run_scoped3A, %dma_wait3A_115, %dma_wait3A_116] : memref<2x128x128xf32, #tpu.memory_space<vmem>> -> memref<1x128x128xf32, #tpu.memory_space<vmem>>
          %dma_wait3A_118 = tpu.memref_squeeze %dma_wait3A_117 : memref<1x128x128xf32, #tpu.memory_space<vmem>> -> memref<128x128xf32, #tpu.memory_space<vmem>>
          %dma_wait3A_119 = arith.constant 0 : i32
          %dma_wait3A_120 = tpu.memref_slice %arg2[%mul3A_87, %dma_wait3A_119] : memref<320000x128xf32, #tpu.memory_space<hbm>> -> memref<128x128xf32, #tpu.memory_space<hbm>>
          tpu.wait_dma2 semaphore(%run_scoped3A_98 : memref<!tpu.dma_semaphore, #tpu.memory_space<semaphore_mem>>) src(%dma_wait3A_120 : memref<128x128xf32, #tpu.memory_space<hbm>>) dst(%dma_wait3A_118 : memref<128x128xf32, #tpu.memory_space<vmem>>)
          tpu.yield
        }) : () -> ()
        %mul3A_88 = arith.constant 128 : i32
        %mul3A_89 = arith.muli %add3A_85, %mul3A_88 : i32
        %run_scoped3A_90 = arith.constant 1 : i32
        %run_scoped3A_91 = arith.constant 0 : i32
        "tpu.region"() ({
          %run_scoped3A_98 = tpu.sem_alloc : memref<!tpu.dma_semaphore, #tpu.memory_space<semaphore_mem>>
          %dma_start3A = arith.constant 0 : i32
          %dma_start3A_99 = tpu.memref_slice %arg6[%run_scoped3A_90, %run_scoped3A_91, %dma_start3A] : memref<2x1x128xi32, #tpu.memory_space<vmem>> -> memref<1x1x128xi32, #tpu.memory_space<vmem>>
          %dma_start3A_100 = tpu.memref_squeeze %dma_start3A_99 : memref<1x1x128xi32, #tpu.memory_space<vmem>> -> memref<128xi32, #tpu.memory_space<vmem>>
          %dma_start3A_101 = tpu.memref_slice %arg3[%mul3A_89] : memref<320000xi32, #tpu.memory_space<hbm>> -> memref<128xi32, #tpu.memory_space<hbm>>
          %dma_start3A_102 = arith.constant 0 : i32
          %dma_start3A_103 = tpu.memref_slice %arg6[%run_scoped3A_90, %run_scoped3A_91, %dma_start3A_102] : memref<2x1x128xi32, #tpu.memory_space<vmem>> -> memref<1x1x128xi32, #tpu.memory_space<vmem>>
          %dma_start3A_104 = tpu.memref_squeeze %dma_start3A_103 : memref<1x1x128xi32, #tpu.memory_space<vmem>> -> memref<128xi32, #tpu.memory_space<vmem>>
          %dma_start3A_105 = tpu.memref_slice %arg3[%mul3A_89] : memref<320000xi32, #tpu.memory_space<hbm>> -> memref<128xi32, #tpu.memory_space<hbm>>
          tpu.enqueue_dma source(%dma_start3A_105 : memref<128xi32, #tpu.memory_space<hbm>>) target(%dma_start3A_104 : memref<128xi32, #tpu.memory_space<vmem>>) target_semaphore(%run_scoped3A_98 : memref<!tpu.dma_semaphore, #tpu.memory_space<semaphore_mem>>)
          %dma_wait3A = arith.constant 0 : i32
          %dma_wait3A_106 = tpu.memref_slice %arg6[%run_scoped3A_90, %run_scoped3A_91, %dma_wait3A] : memref<2x1x128xi32, #tpu.memory_space<vmem>> -> memref<1x1x128xi32, #tpu.memory_space<vmem>>
          %dma_wait3A_107 = tpu.memref_squeeze %dma_wait3A_106 : memref<1x1x128xi32, #tpu.memory_space<vmem>> -> memref<128xi32, #tpu.memory_space<vmem>>
          %dma_wait3A_108 = tpu.memref_slice %arg3[%mul3A_89] : memref<320000xi32, #tpu.memory_space<hbm>> -> memref<128xi32, #tpu.memory_space<hbm>>
          %dma_wait3A_109 = arith.constant 0 : i32
          %dma_wait3A_110 = tpu.memref_slice %arg6[%run_scoped3A_90, %run_scoped3A_91, %dma_wait3A_109] : memref<2x1x128xi32, #tpu.memory_space<vmem>> -> memref<1x1x128xi32, #tpu.memory_space<vmem>>
          %dma_wait3A_111 = tpu.memref_squeeze %dma_wait3A_110 : memref<1x1x128xi32, #tpu.memory_space<vmem>> -> memref<128xi32, #tpu.memory_space<vmem>>
          %dma_wait3A_112 = tpu.memref_slice %arg3[%mul3A_89] : memref<320000xi32, #tpu.memory_space<hbm>> -> memref<128xi32, #tpu.memory_space<hbm>>
          tpu.wait_dma2 semaphore(%run_scoped3A_98 : memref<!tpu.dma_semaphore, #tpu.memory_space<semaphore_mem>>) src(%dma_wait3A_112 : memref<128xi32, #tpu.memory_space<hbm>>) dst(%dma_wait3A_111 : memref<128xi32, #tpu.memory_space<vmem>>)
          tpu.yield
        }) : () -> ()
        %scan3A_92 = arith.constant 0 : i32
        %scan3A_93 = arith.constant 0 : i32
        %scan3A_94 = arith.constant 64 : i32
        %scan3A_95 = arith.addi %scan3A_93, %scan3A_94 : i32
        %scan3A_96 = arith.constant 1 : i32
        scf.for %scan3A_98 = %scan3A_93 to %scan3A_95 step %scan3A_96  : i32 {
          %mul3A_99 = arith.constant 2 : i32
          %mul3A_100 = arith.muli %mul3A_99, %scan3A_98 : i32
          %broadcast_in_dim3A_101 = arith.constant 0 : i32
          %broadcast_in_dim3A_102 = vector.broadcast %broadcast_in_dim3A_101 : i32 to vector<16xi32>
          %add3A_103 = vector.broadcast %mul3A_100 : i32 to vector<16xi32>
          %add3A_104 = arith.addi %broadcast_in_dim3A_102, %add3A_103 : vector<16xi32>
          %gather3A = arith.constant 1 : i32
          %gather3A_105 = arith.constant 0 : i32
          %gather3A_106 = arith.constant 0 : i32
          %gather3A_107 = tpu.memref_slice %arg6[%gather3A, %gather3A_105, %gather3A_106] : memref<2x1x128xi32, #tpu.memory_space<vmem>> -> memref<1x1x128xi32, #tpu.memory_space<vmem>>
          %gather3A_108 = tpu.memref_squeeze %gather3A_107 : memref<1x1x128xi32, #tpu.memory_space<vmem>> -> memref<128xi32, #tpu.memory_space<vmem>>
          %gather3A_109 = tpu.vector_load_idx %gather3A_108[%add3A_104] : memref<128xi32, #tpu.memory_space<vmem>>[vector<16xi32>], vector<16xi32>,
          %sub3A_110 = vector.broadcast %mul3A_5 : i32 to vector<16xi32>
          %sub3A_111 = arith.subi %gather3A_109, %sub3A_110 : vector<16xi32>
          %ge3A = arith.constant 0 : i32
          %ge3A_112 = vector.broadcast %ge3A : i32 to vector<16xi32>
          %ge3A_113 = arith.cmpi sge, %sub3A_111, %ge3A_112 : vector<16xi32>
          %lt3A_114 = vector.broadcast %sub3A : i32 to vector<16xi32>
          %lt3A_115 = arith.cmpi slt, %sub3A_111, %lt3A_114 : vector<16xi32>
          %and3A = arith.andi %ge3A_113, %lt3A_115 : vector<16xi1>
          %and3A_116 = arith.constant 7 : i32
          %and3A_117 = vector.broadcast %and3A_116 : i32 to vector<16xi32>
          %and3A_118 = arith.andi %gather3A_109, %and3A_117 : vector<16xi32>
          %add3A_119 = arith.constant 320 : i32
          %add3A_120 = vector.broadcast %add3A_119 : i32 to vector<16xi32>
          %add3A_121 = arith.addi %add3A_120, %and3A_118 : vector<16xi32>
          %select_n3A = arith.select %and3A, %sub3A_111, %add3A_121 : vector<16xi1>, vector<16xi32>
          %broadcast_in_dim3A_122 = arith.constant 1 : i32
          %broadcast_in_dim3A_123 = vector.broadcast %broadcast_in_dim3A_122 : i32 to vector<16xi32>
          %add3A_124 = vector.broadcast %mul3A_100 : i32 to vector<16xi32>
          %add3A_125 = arith.addi %broadcast_in_dim3A_123, %add3A_124 : vector<16xi32>
          %gather3A_126 = arith.constant 1 : i32
          %gather3A_127 = arith.constant 0 : i32
          %gather3A_128 = arith.constant 0 : i32
          %gather3A_129 = tpu.memref_slice %arg6[%gather3A_126, %gather3A_127, %gather3A_128] : memref<2x1x128xi32, #tpu.memory_space<vmem>> -> memref<1x1x128xi32, #tpu.memory_space<vmem>>
          %gather3A_130 = tpu.memref_squeeze %gather3A_129 : memref<1x1x128xi32, #tpu.memory_space<vmem>> -> memref<128xi32, #tpu.memory_space<vmem>>
          %gather3A_131 = tpu.vector_load_idx %gather3A_130[%add3A_125] : memref<128xi32, #tpu.memory_space<vmem>>[vector<16xi32>], vector<16xi32>,
          %sub3A_132 = vector.broadcast %mul3A_5 : i32 to vector<16xi32>
          %sub3A_133 = arith.subi %gather3A_131, %sub3A_132 : vector<16xi32>
          %ge3A_134 = arith.constant 0 : i32
          %ge3A_135 = vector.broadcast %ge3A_134 : i32 to vector<16xi32>
          %ge3A_136 = arith.cmpi sge, %sub3A_133, %ge3A_135 : vector<16xi32>
          %lt3A_137 = vector.broadcast %sub3A : i32 to vector<16xi32>
          %lt3A_138 = arith.cmpi slt, %sub3A_133, %lt3A_137 : vector<16xi32>
          %and3A_139 = arith.andi %ge3A_136, %lt3A_138 : vector<16xi1>
          %and3A_140 = arith.constant 7 : i32
          %and3A_141 = vector.broadcast %and3A_140 : i32 to vector<16xi32>
          %and3A_142 = arith.andi %gather3A_131, %and3A_141 : vector<16xi32>
          %add3A_143 = arith.constant 320 : i32
          %add3A_144 = vector.broadcast %add3A_143 : i32 to vector<16xi32>
          %add3A_145 = arith.addi %add3A_144, %and3A_142 : vector<16xi32>
          %select_n3A_146 = arith.select %and3A_139, %sub3A_133, %add3A_145 : vector<16xi1>, vector<16xi32>
          %add3A_147 = arith.constant 0 : i32
          %add3A_148 = arith.addi %mul3A_100, %add3A_147 : i32
          %get3A = arith.constant 1 : i32
          %get3A_149 = arith.index_cast %get3A : i32 to index
          %get3A_150 = arith.index_cast %add3A_148 : i32 to index
          %get3A_151 = arith.constant 0 : index
          %get3A_152 = tpu.vector_load %arg5[%get3A_149, %get3A_150, %get3A_151] {strides = array<i32>} : memref<2x128x128xf32, #tpu.memory_space<vmem>>, vector<16xf32>,
          %add3A_153 = arith.constant 0 : i32
          %add3A_154 = arith.addi %mul3A_100, %add3A_153 : i32
          %get3A_155 = arith.constant 1 : i32
          %get3A_156 = arith.index_cast %get3A_155 : i32 to index
          %get3A_157 = arith.index_cast %add3A_154 : i32 to index
          %get3A_158 = arith.constant 16 : index
          %get3A_159 = tpu.vector_load %arg5[%get3A_156, %get3A_157, %get3A_158] {strides = array<i32>} : memref<2x128x128xf32, #tpu.memory_space<vmem>>, vector<16xf32>,
          %add3A_160 = arith.constant 0 : i32
          %add3A_161 = arith.addi %mul3A_100, %add3A_160 : i32
          %get3A_162 = arith.constant 1 : i32
          %get3A_163 = arith.index_cast %get3A_162 : i32 to index
          %get3A_164 = arith.index_cast %add3A_161 : i32 to index
          %get3A_165 = arith.constant 32 : index
          %get3A_166 = tpu.vector_load %arg5[%get3A_163, %get3A_164, %get3A_165] {strides = array<i32>} : memref<2x128x128xf32, #tpu.memory_space<vmem>>, vector<16xf32>,
          %add3A_167 = arith.constant 0 : i32
          %add3A_168 = arith.addi %mul3A_100, %add3A_167 : i32
          %get3A_169 = arith.constant 1 : i32
          %get3A_170 = arith.index_cast %get3A_169 : i32 to index
          %get3A_171 = arith.index_cast %add3A_168 : i32 to index
          %get3A_172 = arith.constant 48 : index
          %get3A_173 = tpu.vector_load %arg5[%get3A_170, %get3A_171, %get3A_172] {strides = array<i32>} : memref<2x128x128xf32, #tpu.memory_space<vmem>>, vector<16xf32>,
          %add3A_174 = arith.constant 0 : i32
          %add3A_175 = arith.addi %mul3A_100, %add3A_174 : i32
          %get3A_176 = arith.constant 1 : i32
          %get3A_177 = arith.index_cast %get3A_176 : i32 to index
          %get3A_178 = arith.index_cast %add3A_175 : i32 to index
          %get3A_179 = arith.constant 64 : index
          %get3A_180 = tpu.vector_load %arg5[%get3A_177, %get3A_178, %get3A_179] {strides = array<i32>} : memref<2x128x128xf32, #tpu.memory_space<vmem>>, vector<16xf32>,
          %add3A_181 = arith.constant 0 : i32
          %add3A_182 = arith.addi %mul3A_100, %add3A_181 : i32
          %get3A_183 = arith.constant 1 : i32
          %get3A_184 = arith.index_cast %get3A_183 : i32 to index
          %get3A_185 = arith.index_cast %add3A_182 : i32 to index
          %get3A_186 = arith.constant 80 : index
          %get3A_187 = tpu.vector_load %arg5[%get3A_184, %get3A_185, %get3A_186] {strides = array<i32>} : memref<2x128x128xf32, #tpu.memory_space<vmem>>, vector<16xf32>,
          %add3A_188 = arith.constant 0 : i32
          %add3A_189 = arith.addi %mul3A_100, %add3A_188 : i32
          %get3A_190 = arith.constant 1 : i32
          %get3A_191 = arith.index_cast %get3A_190 : i32 to index
          %get3A_192 = arith.index_cast %add3A_189 : i32 to index
          %get3A_193 = arith.constant 96 : index
          %get3A_194 = tpu.vector_load %arg5[%get3A_191, %get3A_192, %get3A_193] {strides = array<i32>} : memref<2x128x128xf32, #tpu.memory_space<vmem>>, vector<16xf32>,
          %add3A_195 = arith.constant 0 : i32
          %add3A_196 = arith.addi %mul3A_100, %add3A_195 : i32
          %get3A_197 = arith.constant 1 : i32
          %get3A_198 = arith.index_cast %get3A_197 : i32 to index
          %get3A_199 = arith.index_cast %add3A_196 : i32 to index
          %get3A_200 = arith.constant 112 : index
          %get3A_201 = tpu.vector_load %arg5[%get3A_198, %get3A_199, %get3A_200] {strides = array<i32>} : memref<2x128x128xf32, #tpu.memory_space<vmem>>, vector<16xf32>,
          %add3A_202 = arith.constant 1 : i32
          %add3A_203 = arith.addi %mul3A_100, %add3A_202 : i32
          %get3A_204 = arith.constant 1 : i32
          %get3A_205 = arith.index_cast %get3A_204 : i32 to index
          %get3A_206 = arith.index_cast %add3A_203 : i32 to index
          %get3A_207 = arith.constant 0 : index
          %get3A_208 = tpu.vector_load %arg5[%get3A_205, %get3A_206, %get3A_207] {strides = array<i32>} : memref<2x128x128xf32, #tpu.memory_space<vmem>>, vector<16xf32>,
          %add3A_209 = arith.constant 1 : i32
          %add3A_210 = arith.addi %mul3A_100, %add3A_209 : i32
          %get3A_211 = arith.constant 1 : i32
          %get3A_212 = arith.index_cast %get3A_211 : i32 to index
          %get3A_213 = arith.index_cast %add3A_210 : i32 to index
          %get3A_214 = arith.constant 16 : index
          %get3A_215 = tpu.vector_load %arg5[%get3A_212, %get3A_213, %get3A_214] {strides = array<i32>} : memref<2x128x128xf32, #tpu.memory_space<vmem>>, vector<16xf32>,
          %add3A_216 = arith.constant 1 : i32
          %add3A_217 = arith.addi %mul3A_100, %add3A_216 : i32
          %get3A_218 = arith.constant 1 : i32
          %get3A_219 = arith.index_cast %get3A_218 : i32 to index
          %get3A_220 = arith.index_cast %add3A_217 : i32 to index
          %get3A_221 = arith.constant 32 : index
          %get3A_222 = tpu.vector_load %arg5[%get3A_219, %get3A_220, %get3A_221] {strides = array<i32>} : memref<2x128x128xf32, #tpu.memory_space<vmem>>, vector<16xf32>,
          %add3A_223 = arith.constant 1 : i32
          %add3A_224 = arith.addi %mul3A_100, %add3A_223 : i32
          %get3A_225 = arith.constant 1 : i32
          %get3A_226 = arith.index_cast %get3A_225 : i32 to index
          %get3A_227 = arith.index_cast %add3A_224 : i32 to index
          %get3A_228 = arith.constant 48 : index
          %get3A_229 = tpu.vector_load %arg5[%get3A_226, %get3A_227, %get3A_228] {strides = array<i32>} : memref<2x128x128xf32, #tpu.memory_space<vmem>>, vector<16xf32>,
          %add3A_230 = arith.constant 1 : i32
          %add3A_231 = arith.addi %mul3A_100, %add3A_230 : i32
          %get3A_232 = arith.constant 1 : i32
          %get3A_233 = arith.index_cast %get3A_232 : i32 to index
          %get3A_234 = arith.index_cast %add3A_231 : i32 to index
          %get3A_235 = arith.constant 64 : index
          %get3A_236 = tpu.vector_load %arg5[%get3A_233, %get3A_234, %get3A_235] {strides = array<i32>} : memref<2x128x128xf32, #tpu.memory_space<vmem>>, vector<16xf32>,
          %add3A_237 = arith.constant 1 : i32
          %add3A_238 = arith.addi %mul3A_100, %add3A_237 : i32
          %get3A_239 = arith.constant 1 : i32
          %get3A_240 = arith.index_cast %get3A_239 : i32 to index
          %get3A_241 = arith.index_cast %add3A_238 : i32 to index
          %get3A_242 = arith.constant 80 : index
          %get3A_243 = tpu.vector_load %arg5[%get3A_240, %get3A_241, %get3A_242] {strides = array<i32>} : memref<2x128x128xf32, #tpu.memory_space<vmem>>, vector<16xf32>,
          %add3A_244 = arith.constant 1 : i32
          %add3A_245 = arith.addi %mul3A_100, %add3A_244 : i32
          %get3A_246 = arith.constant 1 : i32
          %get3A_247 = arith.index_cast %get3A_246 : i32 to index
          %get3A_248 = arith.index_cast %add3A_245 : i32 to index
          %get3A_249 = arith.constant 96 : index
          %get3A_250 = tpu.vector_load %arg5[%get3A_247, %get3A_248, %get3A_249] {strides = array<i32>} : memref<2x128x128xf32, #tpu.memory_space<vmem>>, vector<16xf32>,
          %add3A_251 = arith.constant 1 : i32
          %add3A_252 = arith.addi %mul3A_100, %add3A_251 : i32
          %get3A_253 = arith.constant 1 : i32
          %get3A_254 = arith.index_cast %get3A_253 : i32 to index
          %get3A_255 = arith.index_cast %add3A_252 : i32 to index
          %get3A_256 = arith.constant 112 : index
          %get3A_257 = tpu.vector_load %arg5[%get3A_254, %get3A_255, %get3A_256] {strides = array<i32>} : memref<2x128x128xf32, #tpu.memory_space<vmem>>, vector<16xf32>,
          %add3A_258 = arith.constant 0 : i32
          %add3A_259 = vector.broadcast %add3A_258 : i32 to vector<16xi32>
          %add3A_260 = arith.addi %add3A_259, %iota3A : vector<16xi32>
          tpu.vector_store_idx %arg7[%select_n3A, %add3A_260], %get3A_152 {add = true} : memref<328x128xf32, #tpu.memory_space<vmem>>[vector<16xi32>, vector<16xi32>], vector<16xf32>,
          %add3A_261 = arith.constant 0 : i32
          %add3A_262 = vector.broadcast %add3A_261 : i32 to vector<16xi32>
          %add3A_263 = arith.addi %add3A_262, %iota3A : vector<16xi32>
          tpu.vector_store_idx %arg7[%select_n3A_146, %add3A_263], %get3A_208 {add = true} : memref<328x128xf32, #tpu.memory_space<vmem>>[vector<16xi32>, vector<16xi32>], vector<16xf32>,
          %add3A_264 = arith.constant 16 : i32
          %add3A_265 = vector.broadcast %add3A_264 : i32 to vector<16xi32>
          %add3A_266 = arith.addi %add3A_265, %iota3A : vector<16xi32>
          tpu.vector_store_idx %arg7[%select_n3A, %add3A_266], %get3A_159 {add = true} : memref<328x128xf32, #tpu.memory_space<vmem>>[vector<16xi32>, vector<16xi32>], vector<16xf32>,
          %add3A_267 = arith.constant 16 : i32
          %add3A_268 = vector.broadcast %add3A_267 : i32 to vector<16xi32>
          %add3A_269 = arith.addi %add3A_268, %iota3A : vector<16xi32>
          tpu.vector_store_idx %arg7[%select_n3A_146, %add3A_269], %get3A_215 {add = true} : memref<328x128xf32, #tpu.memory_space<vmem>>[vector<16xi32>, vector<16xi32>], vector<16xf32>,
          %add3A_270 = arith.constant 32 : i32
          %add3A_271 = vector.broadcast %add3A_270 : i32 to vector<16xi32>
          %add3A_272 = arith.addi %add3A_271, %iota3A : vector<16xi32>
          tpu.vector_store_idx %arg7[%select_n3A, %add3A_272], %get3A_166 {add = true} : memref<328x128xf32, #tpu.memory_space<vmem>>[vector<16xi32>, vector<16xi32>], vector<16xf32>,
          %add3A_273 = arith.constant 32 : i32
          %add3A_274 = vector.broadcast %add3A_273 : i32 to vector<16xi32>
          %add3A_275 = arith.addi %add3A_274, %iota3A : vector<16xi32>
          tpu.vector_store_idx %arg7[%select_n3A_146, %add3A_275], %get3A_222 {add = true} : memref<328x128xf32, #tpu.memory_space<vmem>>[vector<16xi32>, vector<16xi32>], vector<16xf32>,
          %add3A_276 = arith.constant 48 : i32
          %add3A_277 = vector.broadcast %add3A_276 : i32 to vector<16xi32>
          %add3A_278 = arith.addi %add3A_277, %iota3A : vector<16xi32>
          tpu.vector_store_idx %arg7[%select_n3A, %add3A_278], %get3A_173 {add = true} : memref<328x128xf32, #tpu.memory_space<vmem>>[vector<16xi32>, vector<16xi32>], vector<16xf32>,
          %add3A_279 = arith.constant 48 : i32
          %add3A_280 = vector.broadcast %add3A_279 : i32 to vector<16xi32>
          %add3A_281 = arith.addi %add3A_280, %iota3A : vector<16xi32>
          tpu.vector_store_idx %arg7[%select_n3A_146, %add3A_281], %get3A_229 {add = true} : memref<328x128xf32, #tpu.memory_space<vmem>>[vector<16xi32>, vector<16xi32>], vector<16xf32>,
          %add3A_282 = arith.constant 64 : i32
          %add3A_283 = vector.broadcast %add3A_282 : i32 to vector<16xi32>
          %add3A_284 = arith.addi %add3A_283, %iota3A : vector<16xi32>
          tpu.vector_store_idx %arg7[%select_n3A, %add3A_284], %get3A_180 {add = true} : memref<328x128xf32, #tpu.memory_space<vmem>>[vector<16xi32>, vector<16xi32>], vector<16xf32>,
          %add3A_285 = arith.constant 64 : i32
          %add3A_286 = vector.broadcast %add3A_285 : i32 to vector<16xi32>
          %add3A_287 = arith.addi %add3A_286, %iota3A : vector<16xi32>
          tpu.vector_store_idx %arg7[%select_n3A_146, %add3A_287], %get3A_236 {add = true} : memref<328x128xf32, #tpu.memory_space<vmem>>[vector<16xi32>, vector<16xi32>], vector<16xf32>,
          %add3A_288 = arith.constant 80 : i32
          %add3A_289 = vector.broadcast %add3A_288 : i32 to vector<16xi32>
          %add3A_290 = arith.addi %add3A_289, %iota3A : vector<16xi32>
          tpu.vector_store_idx %arg7[%select_n3A, %add3A_290], %get3A_187 {add = true} : memref<328x128xf32, #tpu.memory_space<vmem>>[vector<16xi32>, vector<16xi32>], vector<16xf32>,
          %add3A_291 = arith.constant 80 : i32
          %add3A_292 = vector.broadcast %add3A_291 : i32 to vector<16xi32>
          %add3A_293 = arith.addi %add3A_292, %iota3A : vector<16xi32>
          tpu.vector_store_idx %arg7[%select_n3A_146, %add3A_293], %get3A_243 {add = true} : memref<328x128xf32, #tpu.memory_space<vmem>>[vector<16xi32>, vector<16xi32>], vector<16xf32>,
          %add3A_294 = arith.constant 96 : i32
          %add3A_295 = vector.broadcast %add3A_294 : i32 to vector<16xi32>
          %add3A_296 = arith.addi %add3A_295, %iota3A : vector<16xi32>
          tpu.vector_store_idx %arg7[%select_n3A, %add3A_296], %get3A_194 {add = true} : memref<328x128xf32, #tpu.memory_space<vmem>>[vector<16xi32>, vector<16xi32>], vector<16xf32>,
          %add3A_297 = arith.constant 96 : i32
          %add3A_298 = vector.broadcast %add3A_297 : i32 to vector<16xi32>
          %add3A_299 = arith.addi %add3A_298, %iota3A : vector<16xi32>
          tpu.vector_store_idx %arg7[%select_n3A_146, %add3A_299], %get3A_250 {add = true} : memref<328x128xf32, #tpu.memory_space<vmem>>[vector<16xi32>, vector<16xi32>], vector<16xf32>,
          %add3A_300 = arith.constant 112 : i32
          %add3A_301 = vector.broadcast %add3A_300 : i32 to vector<16xi32>
          %add3A_302 = arith.addi %add3A_301, %iota3A : vector<16xi32>
          tpu.vector_store_idx %arg7[%select_n3A, %add3A_302], %get3A_201 {add = true} : memref<328x128xf32, #tpu.memory_space<vmem>>[vector<16xi32>, vector<16xi32>], vector<16xf32>,
          %add3A_303 = arith.constant 112 : i32
          %add3A_304 = vector.broadcast %add3A_303 : i32 to vector<16xi32>
          %add3A_305 = arith.addi %add3A_304, %iota3A : vector<16xi32>
          tpu.vector_store_idx %arg7[%select_n3A_146, %add3A_305], %get3A_257 {add = true} : memref<328x128xf32, #tpu.memory_space<vmem>>[vector<16xi32>, vector<16xi32>], vector<16xf32>,
          %broadcast_in_dim3A_306 = arith.constant 1.000000e+00 : f32
          %broadcast_in_dim3A_307 = vector.broadcast %broadcast_in_dim3A_306 : f32 to vector<16xf32>
          tpu.vector_store_idx %arg8[%select_n3A, %iota3A], %broadcast_in_dim3A_307 {add = true} : memref<328x16xf32, #tpu.memory_space<vmem>>[vector<16xi32>, vector<16xi32>], vector<16xf32>,
          tpu.vector_store_idx %arg8[%select_n3A_146, %iota3A], %broadcast_in_dim3A_307 {add = true} : memref<328x16xf32, #tpu.memory_space<vmem>>[vector<16xi32>, vector<16xi32>], vector<16xf32>,
        }
        %scan3A_97 = arith.constant 64 : i32
      } else {
      }
    }
    %scan3A_58 = arith.constant 0 : i32
    %scan3A_59 = arith.constant 0 : i32
    %scan3A_60 = arith.constant 320 : i32
    %scan3A_61 = arith.addi %scan3A_59, %scan3A_60 : i32
    %scan3A_62 = arith.constant 1 : i32
    scf.for %scan3A_71 = %scan3A_59 to %scan3A_61 step %scan3A_62  : i32 {
      %get3A = arith.index_cast %scan3A_71 : i32 to index
      %get3A_72 = arith.constant 0 : index
      %get3A_73 = tpu.vector_load %arg8[%get3A, %get3A_72] {strides = array<i32>} : memref<328x16xf32, #tpu.memory_space<vmem>>, vector<16xf32>,
      %max3A = arith.constant 1.000000e+00 : f32
      %max3A_74 = vector.broadcast %max3A : f32 to vector<16xf32>
      %max3A_75 = arith.maximumf %get3A_73, %max3A_74 : vector<16xf32>
      %div3A_76 = arith.constant 1.000000e+00 : f32
      %div3A_77 = vector.broadcast %div3A_76 : f32 to vector<16xf32>
      %div3A_78 = arith.divf %div3A_77, %max3A_75 : vector<16xf32>
      %get3A_79 = arith.index_cast %scan3A_71 : i32 to index
      %get3A_80 = arith.constant 0 : index
      %get3A_81 = tpu.vector_load %arg7[%get3A_79, %get3A_80] {strides = array<i32>} : memref<328x128xf32, #tpu.memory_space<vmem>>, vector<16xf32>,
      %mul3A_82 = arith.mulf %get3A_81, %div3A_78 : vector<16xf32>
      %swap3A = arith.index_cast %scan3A_71 : i32 to index
      %swap3A_83 = arith.constant 0 : index
      %swap3A_84 = tpu.vector_load %arg7[%swap3A, %swap3A_83] {strides = array<i32>} : memref<328x128xf32, #tpu.memory_space<vmem>>, vector<16xf32>,
      tpu.vector_store %arg7[%swap3A, %swap3A_83], %mul3A_82 {strides = array<i32>} : memref<328x128xf32, #tpu.memory_space<vmem>>, vector<16xf32>,
      %get3A_85 = arith.index_cast %scan3A_71 : i32 to index
      %get3A_86 = arith.constant 16 : index
      %get3A_87 = tpu.vector_load %arg7[%get3A_85, %get3A_86] {strides = array<i32>} : memref<328x128xf32, #tpu.memory_space<vmem>>, vector<16xf32>,
      %mul3A_88 = arith.mulf %get3A_87, %div3A_78 : vector<16xf32>
      %swap3A_89 = arith.index_cast %scan3A_71 : i32 to index
      %swap3A_90 = arith.constant 16 : index
      %swap3A_91 = tpu.vector_load %arg7[%swap3A_89, %swap3A_90] {strides = array<i32>} : memref<328x128xf32, #tpu.memory_space<vmem>>, vector<16xf32>,
      tpu.vector_store %arg7[%swap3A_89, %swap3A_90], %mul3A_88 {strides = array<i32>} : memref<328x128xf32, #tpu.memory_space<vmem>>, vector<16xf32>,
      %get3A_92 = arith.index_cast %scan3A_71 : i32 to index
      %get3A_93 = arith.constant 32 : index
      %get3A_94 = tpu.vector_load %arg7[%get3A_92, %get3A_93] {strides = array<i32>} : memref<328x128xf32, #tpu.memory_space<vmem>>, vector<16xf32>,
      %mul3A_95 = arith.mulf %get3A_94, %div3A_78 : vector<16xf32>
      %swap3A_96 = arith.index_cast %scan3A_71 : i32 to index
      %swap3A_97 = arith.constant 32 : index
      %swap3A_98 = tpu.vector_load %arg7[%swap3A_96, %swap3A_97] {strides = array<i32>} : memref<328x128xf32, #tpu.memory_space<vmem>>, vector<16xf32>,
      tpu.vector_store %arg7[%swap3A_96, %swap3A_97], %mul3A_95 {strides = array<i32>} : memref<328x128xf32, #tpu.memory_space<vmem>>, vector<16xf32>,
      %get3A_99 = arith.index_cast %scan3A_71 : i32 to index
      %get3A_100 = arith.constant 48 : index
      %get3A_101 = tpu.vector_load %arg7[%get3A_99, %get3A_100] {strides = array<i32>} : memref<328x128xf32, #tpu.memory_space<vmem>>, vector<16xf32>,
      %mul3A_102 = arith.mulf %get3A_101, %div3A_78 : vector<16xf32>
      %swap3A_103 = arith.index_cast %scan3A_71 : i32 to index
      %swap3A_104 = arith.constant 48 : index
      %swap3A_105 = tpu.vector_load %arg7[%swap3A_103, %swap3A_104] {strides = array<i32>} : memref<328x128xf32, #tpu.memory_space<vmem>>, vector<16xf32>,
      tpu.vector_store %arg7[%swap3A_103, %swap3A_104], %mul3A_102 {strides = array<i32>} : memref<328x128xf32, #tpu.memory_space<vmem>>, vector<16xf32>,
      %get3A_106 = arith.index_cast %scan3A_71 : i32 to index
      %get3A_107 = arith.constant 64 : index
      %get3A_108 = tpu.vector_load %arg7[%get3A_106, %get3A_107] {strides = array<i32>} : memref<328x128xf32, #tpu.memory_space<vmem>>, vector<16xf32>,
      %mul3A_109 = arith.mulf %get3A_108, %div3A_78 : vector<16xf32>
      %swap3A_110 = arith.index_cast %scan3A_71 : i32 to index
      %swap3A_111 = arith.constant 64 : index
      %swap3A_112 = tpu.vector_load %arg7[%swap3A_110, %swap3A_111] {strides = array<i32>} : memref<328x128xf32, #tpu.memory_space<vmem>>, vector<16xf32>,
      tpu.vector_store %arg7[%swap3A_110, %swap3A_111], %mul3A_109 {strides = array<i32>} : memref<328x128xf32, #tpu.memory_space<vmem>>, vector<16xf32>,
      %get3A_113 = arith.index_cast %scan3A_71 : i32 to index
      %get3A_114 = arith.constant 80 : index
      %get3A_115 = tpu.vector_load %arg7[%get3A_113, %get3A_114] {strides = array<i32>} : memref<328x128xf32, #tpu.memory_space<vmem>>, vector<16xf32>,
      %mul3A_116 = arith.mulf %get3A_115, %div3A_78 : vector<16xf32>
      %swap3A_117 = arith.index_cast %scan3A_71 : i32 to index
      %swap3A_118 = arith.constant 80 : index
      %swap3A_119 = tpu.vector_load %arg7[%swap3A_117, %swap3A_118] {strides = array<i32>} : memref<328x128xf32, #tpu.memory_space<vmem>>, vector<16xf32>,
      tpu.vector_store %arg7[%swap3A_117, %swap3A_118], %mul3A_116 {strides = array<i32>} : memref<328x128xf32, #tpu.memory_space<vmem>>, vector<16xf32>,
      %get3A_120 = arith.index_cast %scan3A_71 : i32 to index
      %get3A_121 = arith.constant 96 : index
      %get3A_122 = tpu.vector_load %arg7[%get3A_120, %get3A_121] {strides = array<i32>} : memref<328x128xf32, #tpu.memory_space<vmem>>, vector<16xf32>,
      %mul3A_123 = arith.mulf %get3A_122, %div3A_78 : vector<16xf32>
      %swap3A_124 = arith.index_cast %scan3A_71 : i32 to index
      %swap3A_125 = arith.constant 96 : index
      %swap3A_126 = tpu.vector_load %arg7[%swap3A_124, %swap3A_125] {strides = array<i32>} : memref<328x128xf32, #tpu.memory_space<vmem>>, vector<16xf32>,
      tpu.vector_store %arg7[%swap3A_124, %swap3A_125], %mul3A_123 {strides = array<i32>} : memref<328x128xf32, #tpu.memory_space<vmem>>, vector<16xf32>,
      %get3A_127 = arith.index_cast %scan3A_71 : i32 to index
      %get3A_128 = arith.constant 112 : index
      %get3A_129 = tpu.vector_load %arg7[%get3A_127, %get3A_128] {strides = array<i32>} : memref<328x128xf32, #tpu.memory_space<vmem>>, vector<16xf32>,
      %mul3A_130 = arith.mulf %get3A_129, %div3A_78 : vector<16xf32>
      %swap3A_131 = arith.index_cast %scan3A_71 : i32 to index
      %swap3A_132 = arith.constant 112 : index
      %swap3A_133 = tpu.vector_load %arg7[%swap3A_131, %swap3A_132] {strides = array<i32>} : memref<328x128xf32, #tpu.memory_space<vmem>>, vector<16xf32>,
      tpu.vector_store %arg7[%swap3A_131, %swap3A_132], %mul3A_130 {strides = array<i32>} : memref<328x128xf32, #tpu.memory_space<vmem>>, vector<16xf32>,
    }
    %scan3A_63 = arith.constant 320 : i32
    %eq3A = arith.constant 312 : i32
    %eq3A_64 = arith.cmpi eq, %sub3A, %eq3A : i32
    %convert_element_type3A = arith.extui %eq3A_64 : i1 to i32
    %cond3A = arith.constant 0 : i32
    %cond3A_65 = arith.cmpi ne, %convert_element_type3A, %cond3A : i32
    scf.if %cond3A_65 {
      %add3A_71 = arith.constant 0 : i32
      %add3A_72 = arith.addi %mul3A_5, %add3A_71 : i32
      "tpu.region"() ({
        %run_scoped3A = tpu.sem_alloc : memref<!tpu.dma_semaphore, #tpu.memory_space<semaphore_mem>>
        %dma_start3A = arith.constant 0 : i32
        %dma_start3A_77 = arith.constant 0 : i32
        %dma_start3A_78 = tpu.memref_slice %arg7[%dma_start3A, %dma_start3A_77] : memref<328x128xf32, #tpu.memory_space<vmem>> -> memref<128x128xf32, #tpu.memory_space<vmem>>
        %dma_start3A_79 = arith.constant 0 : i32
        %dma_start3A_80 = tpu.memref_slice %arg4[%add3A_72, %dma_start3A_79] : memref<10000x128xf32, #tpu.memory_space<hbm>> -> memref<128x128xf32, #tpu.memory_space<hbm>>
        %dma_start3A_81 = arith.constant 0 : i32
        %dma_start3A_82 = tpu.memref_slice %arg4[%add3A_72, %dma_start3A_81] : memref<10000x128xf32, #tpu.memory_space<hbm>> -> memref<128x128xf32, #tpu.memory_space<hbm>>
        %dma_start3A_83 = arith.constant 0 : i32
        %dma_start3A_84 = arith.constant 0 : i32
        %dma_start3A_85 = tpu.memref_slice %arg7[%dma_start3A_83, %dma_start3A_84] : memref<328x128xf32, #tpu.memory_space<vmem>> -> memref<128x128xf32, #tpu.memory_space<vmem>>
        tpu.enqueue_dma source(%dma_start3A_85 : memref<128x128xf32, #tpu.memory_space<vmem>>) target(%dma_start3A_82 : memref<128x128xf32, #tpu.memory_space<hbm>>) target_semaphore(%run_scoped3A : memref<!tpu.dma_semaphore, #tpu.memory_space<semaphore_mem>>)
        %dma_wait3A = arith.constant 0 : i32
        %dma_wait3A_86 = arith.constant 0 : i32
        %dma_wait3A_87 = tpu.memref_slice %arg7[%dma_wait3A, %dma_wait3A_86] : memref<328x128xf32, #tpu.memory_space<vmem>> -> memref<128x128xf32, #tpu.memory_space<vmem>>
        %dma_wait3A_88 = arith.constant 0 : i32
        %dma_wait3A_89 = tpu.memref_slice %arg4[%add3A_72, %dma_wait3A_88] : memref<10000x128xf32, #tpu.memory_space<hbm>> -> memref<128x128xf32, #tpu.memory_space<hbm>>
        %dma_wait3A_90 = arith.constant 0 : i32
        %dma_wait3A_91 = tpu.memref_slice %arg4[%add3A_72, %dma_wait3A_90] : memref<10000x128xf32, #tpu.memory_space<hbm>> -> memref<128x128xf32, #tpu.memory_space<hbm>>
        %dma_wait3A_92 = arith.constant 0 : i32
        %dma_wait3A_93 = arith.constant 0 : i32
        %dma_wait3A_94 = tpu.memref_slice %arg7[%dma_wait3A_92, %dma_wait3A_93] : memref<328x128xf32, #tpu.memory_space<vmem>> -> memref<128x128xf32, #tpu.memory_space<vmem>>
        tpu.wait_dma2 semaphore(%run_scoped3A : memref<!tpu.dma_semaphore, #tpu.memory_space<semaphore_mem>>) src(%dma_wait3A_94 : memref<128x128xf32, #tpu.memory_space<vmem>>) dst(%dma_wait3A_91 : memref<128x128xf32, #tpu.memory_space<hbm>>)
        tpu.yield
      }) : () -> ()
      %add3A_73 = arith.constant 128 : i32
      %add3A_74 = arith.addi %mul3A_5, %add3A_73 : i32
      "tpu.region"() ({
        %run_scoped3A = tpu.sem_alloc : memref<!tpu.dma_semaphore, #tpu.memory_space<semaphore_mem>>
        %dma_start3A = arith.constant 128 : i32
        %dma_start3A_77 = arith.constant 0 : i32
        %dma_start3A_78 = tpu.memref_slice %arg7[%dma_start3A, %dma_start3A_77] : memref<328x128xf32, #tpu.memory_space<vmem>> -> memref<128x128xf32, #tpu.memory_space<vmem>>
        %dma_start3A_79 = arith.constant 0 : i32
        %dma_start3A_80 = tpu.memref_slice %arg4[%add3A_74, %dma_start3A_79] : memref<10000x128xf32, #tpu.memory_space<hbm>> -> memref<128x128xf32, #tpu.memory_space<hbm>>
        %dma_start3A_81 = arith.constant 0 : i32
        %dma_start3A_82 = tpu.memref_slice %arg4[%add3A_74, %dma_start3A_81] : memref<10000x128xf32, #tpu.memory_space<hbm>> -> memref<128x128xf32, #tpu.memory_space<hbm>>
        %dma_start3A_83 = arith.constant 128 : i32
        %dma_start3A_84 = arith.constant 0 : i32
        %dma_start3A_85 = tpu.memref_slice %arg7[%dma_start3A_83, %dma_start3A_84] : memref<328x128xf32, #tpu.memory_space<vmem>> -> memref<128x128xf32, #tpu.memory_space<vmem>>
        tpu.enqueue_dma source(%dma_start3A_85 : memref<128x128xf32, #tpu.memory_space<vmem>>) target(%dma_start3A_82 : memref<128x128xf32, #tpu.memory_space<hbm>>) target_semaphore(%run_scoped3A : memref<!tpu.dma_semaphore, #tpu.memory_space<semaphore_mem>>)
        %dma_wait3A = arith.constant 128 : i32
        %dma_wait3A_86 = arith.constant 0 : i32
        %dma_wait3A_87 = tpu.memref_slice %arg7[%dma_wait3A, %dma_wait3A_86] : memref<328x128xf32, #tpu.memory_space<vmem>> -> memref<128x128xf32, #tpu.memory_space<vmem>>
        %dma_wait3A_88 = arith.constant 0 : i32
        %dma_wait3A_89 = tpu.memref_slice %arg4[%add3A_74, %dma_wait3A_88] : memref<10000x128xf32, #tpu.memory_space<hbm>> -> memref<128x128xf32, #tpu.memory_space<hbm>>
        %dma_wait3A_90 = arith.constant 0 : i32
        %dma_wait3A_91 = tpu.memref_slice %arg4[%add3A_74, %dma_wait3A_90] : memref<10000x128xf32, #tpu.memory_space<hbm>> -> memref<128x128xf32, #tpu.memory_space<hbm>>
        %dma_wait3A_92 = arith.constant 128 : i32
        %dma_wait3A_93 = arith.constant 0 : i32
        %dma_wait3A_94 = tpu.memref_slice %arg7[%dma_wait3A_92, %dma_wait3A_93] : memref<328x128xf32, #tpu.memory_space<vmem>> -> memref<128x128xf32, #tpu.memory_space<vmem>>
        tpu.wait_dma2 semaphore(%run_scoped3A : memref<!tpu.dma_semaphore, #tpu.memory_space<semaphore_mem>>) src(%dma_wait3A_94 : memref<128x128xf32, #tpu.memory_space<vmem>>) dst(%dma_wait3A_91 : memref<128x128xf32, #tpu.memory_space<hbm>>)
        tpu.yield
      }) : () -> ()
      %add3A_75 = arith.constant 256 : i32
      %add3A_76 = arith.addi %mul3A_5, %add3A_75 : i32
      "tpu.region"() ({
        %run_scoped3A = tpu.sem_alloc : memref<!tpu.dma_semaphore, #tpu.memory_space<semaphore_mem>>
        %dma_start3A = arith.constant 256 : i32
        %dma_start3A_77 = arith.constant 0 : i32
        %dma_start3A_78 = tpu.memref_slice %arg7[%dma_start3A, %dma_start3A_77] : memref<328x128xf32, #tpu.memory_space<vmem>> -> memref<56x128xf32, #tpu.memory_space<vmem>>
        %dma_start3A_79 = arith.constant 0 : i32
        %dma_start3A_80 = tpu.memref_slice %arg4[%add3A_76, %dma_start3A_79] : memref<10000x128xf32, #tpu.memory_space<hbm>> -> memref<56x128xf32, #tpu.memory_space<hbm>>
        %dma_start3A_81 = arith.constant 0 : i32
        %dma_start3A_82 = tpu.memref_slice %arg4[%add3A_76, %dma_start3A_81] : memref<10000x128xf32, #tpu.memory_space<hbm>> -> memref<56x128xf32, #tpu.memory_space<hbm>>
        %dma_start3A_83 = arith.constant 256 : i32
        %dma_start3A_84 = arith.constant 0 : i32
        %dma_start3A_85 = tpu.memref_slice %arg7[%dma_start3A_83, %dma_start3A_84] : memref<328x128xf32, #tpu.memory_space<vmem>> -> memref<56x128xf32, #tpu.memory_space<vmem>>
        tpu.enqueue_dma source(%dma_start3A_85 : memref<56x128xf32, #tpu.memory_space<vmem>>) target(%dma_start3A_82 : memref<56x128xf32, #tpu.memory_space<hbm>>) target_semaphore(%run_scoped3A : memref<!tpu.dma_semaphore, #tpu.memory_space<semaphore_mem>>)
        %dma_wait3A = arith.constant 256 : i32
        %dma_wait3A_86 = arith.constant 0 : i32
        %dma_wait3A_87 = tpu.memref_slice %arg7[%dma_wait3A, %dma_wait3A_86] : memref<328x128xf32, #tpu.memory_space<vmem>> -> memref<56x128xf32, #tpu.memory_space<vmem>>
        %dma_wait3A_88 = arith.constant 0 : i32
        %dma_wait3A_89 = tpu.memref_slice %arg4[%add3A_76, %dma_wait3A_88] : memref<10000x128xf32, #tpu.memory_space<hbm>> -> memref<56x128xf32, #tpu.memory_space<hbm>>
        %dma_wait3A_90 = arith.constant 0 : i32
        %dma_wait3A_91 = tpu.memref_slice %arg4[%add3A_76, %dma_wait3A_90] : memref<10000x128xf32, #tpu.memory_space<hbm>> -> memref<56x128xf32, #tpu.memory_space<hbm>>
        %dma_wait3A_92 = arith.constant 256 : i32
        %dma_wait3A_93 = arith.constant 0 : i32
        %dma_wait3A_94 = tpu.memref_slice %arg7[%dma_wait3A_92, %dma_wait3A_93] : memref<328x128xf32, #tpu.memory_space<vmem>> -> memref<56x128xf32, #tpu.memory_space<vmem>>
        tpu.wait_dma2 semaphore(%run_scoped3A : memref<!tpu.dma_semaphore, #tpu.memory_space<semaphore_mem>>) src(%dma_wait3A_94 : memref<56x128xf32, #tpu.memory_space<vmem>>) dst(%dma_wait3A_91 : memref<56x128xf32, #tpu.memory_space<hbm>>)
        tpu.yield
      }) : () -> ()
    } else {
    }
    %eq3A_66 = arith.constant 320 : i32
    %eq3A_67 = arith.cmpi eq, %sub3A, %eq3A_66 : i32
    %convert_element_type3A_68 = arith.extui %eq3A_67 : i1 to i32
    %cond3A_69 = arith.constant 0 : i32
    %cond3A_70 = arith.cmpi ne, %convert_element_type3A_68, %cond3A_69 : i32
    scf.if %cond3A_70 {
      %add3A_71 = arith.constant 0 : i32
      %add3A_72 = arith.addi %mul3A_5, %add3A_71 : i32
      "tpu.region"() ({
        %run_scoped3A = tpu.sem_alloc : memref<!tpu.dma_semaphore, #tpu.memory_space<semaphore_mem>>
        %dma_start3A = arith.constant 0 : i32
        %dma_start3A_77 = arith.constant 0 : i32
        %dma_start3A_78 = tpu.memref_slice %arg7[%dma_start3A, %dma_start3A_77] : memref<328x128xf32, #tpu.memory_space<vmem>> -> memref<128x128xf32, #tpu.memory_space<vmem>>
        %dma_start3A_79 = arith.constant 0 : i32
        %dma_start3A_80 = tpu.memref_slice %arg4[%add3A_72, %dma_start3A_79] : memref<10000x128xf32, #tpu.memory_space<hbm>> -> memref<128x128xf32, #tpu.memory_space<hbm>>
        %dma_start3A_81 = arith.constant 0 : i32
        %dma_start3A_82 = tpu.memref_slice %arg4[%add3A_72, %dma_start3A_81] : memref<10000x128xf32, #tpu.memory_space<hbm>> -> memref<128x128xf32, #tpu.memory_space<hbm>>
        %dma_start3A_83 = arith.constant 0 : i32
        %dma_start3A_84 = arith.constant 0 : i32
        %dma_start3A_85 = tpu.memref_slice %arg7[%dma_start3A_83, %dma_start3A_84] : memref<328x128xf32, #tpu.memory_space<vmem>> -> memref<128x128xf32, #tpu.memory_space<vmem>>
        tpu.enqueue_dma source(%dma_start3A_85 : memref<128x128xf32, #tpu.memory_space<vmem>>) target(%dma_start3A_82 : memref<128x128xf32, #tpu.memory_space<hbm>>) target_semaphore(%run_scoped3A : memref<!tpu.dma_semaphore, #tpu.memory_space<semaphore_mem>>)
        %dma_wait3A = arith.constant 0 : i32
        %dma_wait3A_86 = arith.constant 0 : i32
        %dma_wait3A_87 = tpu.memref_slice %arg7[%dma_wait3A, %dma_wait3A_86] : memref<328x128xf32, #tpu.memory_space<vmem>> -> memref<128x128xf32, #tpu.memory_space<vmem>>
        %dma_wait3A_88 = arith.constant 0 : i32
        %dma_wait3A_89 = tpu.memref_slice %arg4[%add3A_72, %dma_wait3A_88] : memref<10000x128xf32, #tpu.memory_space<hbm>> -> memref<128x128xf32, #tpu.memory_space<hbm>>
        %dma_wait3A_90 = arith.constant 0 : i32
        %dma_wait3A_91 = tpu.memref_slice %arg4[%add3A_72, %dma_wait3A_90] : memref<10000x128xf32, #tpu.memory_space<hbm>> -> memref<128x128xf32, #tpu.memory_space<hbm>>
        %dma_wait3A_92 = arith.constant 0 : i32
        %dma_wait3A_93 = arith.constant 0 : i32
        %dma_wait3A_94 = tpu.memref_slice %arg7[%dma_wait3A_92, %dma_wait3A_93] : memref<328x128xf32, #tpu.memory_space<vmem>> -> memref<128x128xf32, #tpu.memory_space<vmem>>
        tpu.wait_dma2 semaphore(%run_scoped3A : memref<!tpu.dma_semaphore, #tpu.memory_space<semaphore_mem>>) src(%dma_wait3A_94 : memref<128x128xf32, #tpu.memory_space<vmem>>) dst(%dma_wait3A_91 : memref<128x128xf32, #tpu.memory_space<hbm>>)
        tpu.yield
      }) : () -> ()
      %add3A_73 = arith.constant 128 : i32
      %add3A_74 = arith.addi %mul3A_5, %add3A_73 : i32
      "tpu.region"() ({
        %run_scoped3A = tpu.sem_alloc : memref<!tpu.dma_semaphore, #tpu.memory_space<semaphore_mem>>
        %dma_start3A = arith.constant 128 : i32
        %dma_start3A_77 = arith.constant 0 : i32
        %dma_start3A_78 = tpu.memref_slice %arg7[%dma_start3A, %dma_start3A_77] : memref<328x128xf32, #tpu.memory_space<vmem>> -> memref<128x128xf32, #tpu.memory_space<vmem>>
        %dma_start3A_79 = arith.constant 0 : i32
        %dma_start3A_80 = tpu.memref_slice %arg4[%add3A_74, %dma_start3A_79] : memref<10000x128xf32, #tpu.memory_space<hbm>> -> memref<128x128xf32, #tpu.memory_space<hbm>>
        %dma_start3A_81 = arith.constant 0 : i32
        %dma_start3A_82 = tpu.memref_slice %arg4[%add3A_74, %dma_start3A_81] : memref<10000x128xf32, #tpu.memory_space<hbm>> -> memref<128x128xf32, #tpu.memory_space<hbm>>
        %dma_start3A_83 = arith.constant 128 : i32
        %dma_start3A_84 = arith.constant 0 : i32
        %dma_start3A_85 = tpu.memref_slice %arg7[%dma_start3A_83, %dma_start3A_84] : memref<328x128xf32, #tpu.memory_space<vmem>> -> memref<128x128xf32, #tpu.memory_space<vmem>>
        tpu.enqueue_dma source(%dma_start3A_85 : memref<128x128xf32, #tpu.memory_space<vmem>>) target(%dma_start3A_82 : memref<128x128xf32, #tpu.memory_space<hbm>>) target_semaphore(%run_scoped3A : memref<!tpu.dma_semaphore, #tpu.memory_space<semaphore_mem>>)
        %dma_wait3A = arith.constant 128 : i32
        %dma_wait3A_86 = arith.constant 0 : i32
        %dma_wait3A_87 = tpu.memref_slice %arg7[%dma_wait3A, %dma_wait3A_86] : memref<328x128xf32, #tpu.memory_space<vmem>> -> memref<128x128xf32, #tpu.memory_space<vmem>>
        %dma_wait3A_88 = arith.constant 0 : i32
        %dma_wait3A_89 = tpu.memref_slice %arg4[%add3A_74, %dma_wait3A_88] : memref<10000x128xf32, #tpu.memory_space<hbm>> -> memref<128x128xf32, #tpu.memory_space<hbm>>
        %dma_wait3A_90 = arith.constant 0 : i32
        %dma_wait3A_91 = tpu.memref_slice %arg4[%add3A_74, %dma_wait3A_90] : memref<10000x128xf32, #tpu.memory_space<hbm>> -> memref<128x128xf32, #tpu.memory_space<hbm>>
        %dma_wait3A_92 = arith.constant 128 : i32
        %dma_wait3A_93 = arith.constant 0 : i32
        %dma_wait3A_94 = tpu.memref_slice %arg7[%dma_wait3A_92, %dma_wait3A_93] : memref<328x128xf32, #tpu.memory_space<vmem>> -> memref<128x128xf32, #tpu.memory_space<vmem>>
        tpu.wait_dma2 semaphore(%run_scoped3A : memref<!tpu.dma_semaphore, #tpu.memory_space<semaphore_mem>>) src(%dma_wait3A_94 : memref<128x128xf32, #tpu.memory_space<vmem>>) dst(%dma_wait3A_91 : memref<128x128xf32, #tpu.memory_space<hbm>>)
        tpu.yield
      }) : () -> ()
      %add3A_75 = arith.constant 256 : i32
      %add3A_76 = arith.addi %mul3A_5, %add3A_75 : i32
      "tpu.region"() ({
        %run_scoped3A = tpu.sem_alloc : memref<!tpu.dma_semaphore, #tpu.memory_space<semaphore_mem>>
        %dma_start3A = arith.constant 256 : i32
        %dma_start3A_77 = arith.constant 0 : i32
        %dma_start3A_78 = tpu.memref_slice %arg7[%dma_start3A, %dma_start3A_77] : memref<328x128xf32, #tpu.memory_space<vmem>> -> memref<64x128xf32, #tpu.memory_space<vmem>>
        %dma_start3A_79 = arith.constant 0 : i32
        %dma_start3A_80 = tpu.memref_slice %arg4[%add3A_76, %dma_start3A_79] : memref<10000x128xf32, #tpu.memory_space<hbm>> -> memref<64x128xf32, #tpu.memory_space<hbm>>
        %dma_start3A_81 = arith.constant 0 : i32
        %dma_start3A_82 = tpu.memref_slice %arg4[%add3A_76, %dma_start3A_81] : memref<10000x128xf32, #tpu.memory_space<hbm>> -> memref<64x128xf32, #tpu.memory_space<hbm>>
        %dma_start3A_83 = arith.constant 256 : i32
        %dma_start3A_84 = arith.constant 0 : i32
        %dma_start3A_85 = tpu.memref_slice %arg7[%dma_start3A_83, %dma_start3A_84] : memref<328x128xf32, #tpu.memory_space<vmem>> -> memref<64x128xf32, #tpu.memory_space<vmem>>
        tpu.enqueue_dma source(%dma_start3A_85 : memref<64x128xf32, #tpu.memory_space<vmem>>) target(%dma_start3A_82 : memref<64x128xf32, #tpu.memory_space<hbm>>) target_semaphore(%run_scoped3A : memref<!tpu.dma_semaphore, #tpu.memory_space<semaphore_mem>>)
        %dma_wait3A = arith.constant 256 : i32
        %dma_wait3A_86 = arith.constant 0 : i32
        %dma_wait3A_87 = tpu.memref_slice %arg7[%dma_wait3A, %dma_wait3A_86] : memref<328x128xf32, #tpu.memory_space<vmem>> -> memref<64x128xf32, #tpu.memory_space<vmem>>
        %dma_wait3A_88 = arith.constant 0 : i32
        %dma_wait3A_89 = tpu.memref_slice %arg4[%add3A_76, %dma_wait3A_88] : memref<10000x128xf32, #tpu.memory_space<hbm>> -> memref<64x128xf32, #tpu.memory_space<hbm>>
        %dma_wait3A_90 = arith.constant 0 : i32
        %dma_wait3A_91 = tpu.memref_slice %arg4[%add3A_76, %dma_wait3A_90] : memref<10000x128xf32, #tpu.memory_space<hbm>> -> memref<64x128xf32, #tpu.memory_space<hbm>>
        %dma_wait3A_92 = arith.constant 256 : i32
        %dma_wait3A_93 = arith.constant 0 : i32
        %dma_wait3A_94 = tpu.memref_slice %arg7[%dma_wait3A_92, %dma_wait3A_93] : memref<328x128xf32, #tpu.memory_space<vmem>> -> memref<64x128xf32, #tpu.memory_space<vmem>>
        tpu.wait_dma2 semaphore(%run_scoped3A : memref<!tpu.dma_semaphore, #tpu.memory_space<semaphore_mem>>) src(%dma_wait3A_94 : memref<64x128xf32, #tpu.memory_space<vmem>>) dst(%dma_wait3A_91 : memref<64x128xf32, #tpu.memory_space<hbm>>)
        tpu.yield
      }) : () -> ()
    } else {
    }
    return
  }
}

</mosaic_0001>

<sc_bundles>
// kernel: kernel.3.cloned.1.call-start
scs
__scs_entry_jumppad:
0x0: {  	(pc) =	sbr.rel $0x88, $3  }
0x1: {  	(tag) =	ssettag $0x0;
	lr =	simm.s32 $0x1  }
0x2: {  	[smem:$0x3F9F] =	sst lr;
	_ =	strace $0xD0000000  }
0x3: {  	_ = 	snop  }
0x4: {  	_ = 	snop  }
0x5: {  	_ = 	snop  }
0x6: {  	_ = 	snop  }
0x7: {  	_ = 	snop  }
__scs_overlays_trampoline_lowered:
0x8: {  	[smem:$0x3FAE] =	sst s0  }
0x9: {  	[smem:$0x3FAF] =	sst s1  }
0xa: {  	[smem:$0x3FB0] =	sst s2  }
0xb: {  	[smem:$0x3FB1] =	sst s3  }
0xc: {  	[smem:$0x3FB2] =	sst s4  }
0xd: {  	[smem:$0x3FB3] =	sst s5  }
0xe: {  	[smem:$0x3FB4] =	sst s6  }
0xf: {  	[smem:$0x3FB5] =	sst s7  }
0x10: {  	[smem:$0x3FB6] =	sst s8  }
0x11: {  	[smem:$0x3FB7] =	sst s9;
	s0 =	simm.s32 @!p0 $0x0  }
0x12: {  	s1 =	sld [smem:$0x3F9D];
	s0 =	simm.s32 @p0 $0x1  }
0x13: {  	[smem:$0x3FB8] =	sst s0;
	s0 =	simm.s32 @!p1 $0x0  }
0x14: {  	s2 =	sld [smem:$0x3F9C];
	s0 =	simm.s32 @p1 $0x1  }
0x15: {  	[smem:$0x3FB9] =	sst s0;
	s0 =	simm.s32 @!p2 $0x0  }
0x16: {  	s3 =	sld [smem:$0x3FDB];
	s0 =	simm.s32 @p2 $0x1  }
0x17: {  	s4 =	simm.s32 $0x1BF5;
	[smem:$0x3FBB] =	sst s0  }
0x18: {  	s0 =	sld [smem:$0x3F9E];
	_ =	swait.ge [sflag:s4], $0x0  }
0x19: {  	s7 =	sld [smem:$0x3F9F]  }
0x1a: {  	s8 =	sadd.s32 $0xFFFFE003, lr  }
0x1b: {  	s9 =	sadd.s32 $0xFFFFFEF7, lr;
	s5 =	simm.s32 $0xFFFFFFFF;
	p2 =	slt.u32 s8, $0xFFFFF086  }
0x1c: {  	p1 =	slt.u32 s9, $0xF7A;
	s5 =	simm.s32 @!p2 $0x0  }
0x1d: {  	s5 =	simm.s32 @p1 $0x1;
	p0 =	seq.s32 s7, s2  }
0x1e: {  	s7 =	smul.u32 @!p0 $0xF7A, s2;
	p2 =	seq.s32 @!p0 s5, $0x0  }
0x1f: {  	s9 =	smul.u32 $0xF7A, s1;
	s8 =	simm.s32 @!p0 $0x1BF5;
	p2 =	por !p2, p0  }
0x20: {  	[sflag:s8] =	ssyncset.s32 @!p0 $0xFFFFF086;
	s6 =	sadd.s32 @!p0 s3, s7;
	s7 =	simm.s32 @!p0 $0x108  }
0x21: {  	s3 =	sadd.s32 s3, s9;
	s6 =	sadd.s32 @!p0 $0x88, s6;
	s7 =	simm.s32 @p2 $0x1082  }
0x22: {  	[simem:s7], [sflag:s8] =	dma.local @!p0 [hbm:s6], $0xF7A  }
0x23: {  	s9 =	sor.u32 $0xD0000000, s2;
	s6 =	simm.s32 $0x108;
	_ =	swait.ge @!p0 [sflag:s8], $0x0  }
0x24: {  	s3 =	sadd.s32 $0x88, s3;
	s6 =	simm.s32 @!p1 $0x1082;
	[sflag:s4] =	ssyncset.s32 $0xFFFFF086  }
0x25: {  	[simem:s6], [sflag:s4] =	dma.local [hbm:s3], $0xF7A  }
0x26: {  	[smem:$0x3F9F] =	sst s1;
	(tag) =	ssettag s2;
	_ =	strace s9  }
0x27: {  	s1 =	sld [smem:$0x3FAF]  }
0x28: {  	s2 =	sld [smem:$0x3FB0]  }
0x29: {  	s4 =	sld [smem:$0x3FB2]  }
0x2a: {  	p0 =	seq.s32 s5, $0x0;
	s5 =	sld [smem:$0x3FB3]  }
0x2b: {  	s6 =	sld [smem:$0x3FB4]  }
0x2c: {  	s7 =	sld [smem:$0x3FB5]  }
0x2d: {  	s3 =	simm.s32 $0x108;
	s8 =	sld [smem:$0x3FB6]  }
0x2e: {  	s3 =	simm.s32 @!p0 $0x1082;
	s9 =	sld [smem:$0x3FB7]  }
0x2f: {  	lr =	sadd.s32 s0, s3;
	s0 =	sld [smem:$0x3FAE]  }
0x30: {  	s3 =	sld [smem:$0x3FB1]  }
0x31: {  	[smem:$0x3FBA] =	sst s10  }
0x32: {  	s10 =	sld [smem:$0x3FB8];
	_ =	sdelay $0x3  }
0x33: {  	p0 =	seq.s32 s10, $0x1;
	s10 =	sld [smem:$0x3FBA];
	_ =	sdelay $0x3  }
0x34: {  	[smem:$0x3FBA] =	sst s10  }
0x35: {  	s10 =	sld [smem:$0x3FB9];
	_ =	sdelay $0x3  }
0x36: {  	p1 =	seq.s32 s10, $0x1;
	s10 =	sld [smem:$0x3FBA];
	_ =	sdelay $0x3  }
0x37: {  	[smem:$0x3FBA] =	sst s10  }
0x38: {  	s10 =	sld [smem:$0x3FBB]  }
0x39: {  	_ = 	snop;
	(pc) =	sbr.ind lr, $3  }
0x3a: {  	_ = 	snop  }
0x3b: {  	_ = 	snop  }
0x3c: {  	p2 =	seq.s32 s10, $0x1;
	s10 =	sld [smem:$0x3FBA]  }
0x3d: {  	_ =	shalt  }
0x3e: {  	_ =	shalt  }
0x3f: {  	_ =	shalt  }
0x40: {  	_ =	shalt  }
0x41: {  	_ =	shalt  }
0x42: {  	_ =	shalt  }
0x43: {  	_ =	shalt  }
0x44: {  	_ =	shalt  }
0x45: {  	_ =	shalt  }
0x46: {  	_ =	shalt  }
0x47: {  	_ =	shalt  }
0x48: {  	_ =	shalt  }
0x49: {  	_ =	shalt  }
0x4a: {  	_ =	shalt  }
0x4b: {  	_ =	shalt  }
0x4c: {  	_ =	shalt  }
0x4d: {  	_ =	shalt  }
0x4e: {  	_ =	shalt  }
0x4f: {  	_ =	shalt  }
0x50: {  	_ =	shalt  }
0x51: {  	_ =	shalt  }
0x52: {  	_ =	shalt  }
0x53: {  	_ =	shalt  }
0x54: {  	_ =	shalt  }
0x55: {  	_ =	shalt  }
0x56: {  	_ =	shalt  }
0x57: {  	_ =	shalt  }
0x58: {  	_ =	shalt  }
0x59: {  	_ =	shalt  }
0x5a: {  	_ =	shalt  }
0x5b: {  	_ =	shalt  }
0x5c: {  	_ =	shalt  }
0x5d: {  	_ =	shalt  }
0x5e: {  	_ =	shalt  }
0x5f: {  	_ =	shalt  }
0x60: {  	_ =	shalt  }
0x61: {  	_ =	shalt  }
0x62: {  	_ =	shalt  }
0x63: {  	_ =	shalt  }
0x64: {  	_ =	shalt  }
0x65: {  	_ =	shalt  }
0x66: {  	_ =	shalt  }
0x67: {  	_ =	shalt  }
0x68: {  	_ =	shalt  }
0x69: {  	_ =	shalt  }
0x6a: {  	_ =	shalt  }
0x6b: {  	_ =	shalt  }
0x6c: {  	_ =	shalt  }
0x6d: {  	_ =	shalt  }
0x6e: {  	_ =	shalt  }
0x6f: {  	_ =	shalt  }
0x70: {  	_ =	shalt  }
0x71: {  	_ =	shalt  }
0x72: {  	_ =	shalt  }
0x73: {  	_ =	shalt  }
0x74: {  	_ =	shalt  }
0x75: {  	_ =	shalt  }
0x76: {  	_ =	shalt  }
0x77: {  	_ =	shalt  }
0x78: {  	_ =	shalt  }
0x79: {  	_ =	shalt  }
0x7a: {  	_ =	shalt  }
0x7b: {  	_ =	shalt  }
0x7c: {  	_ =	shalt  }
0x7d: {  	_ =	shalt  }
0x7e: {  	_ =	shalt  }
0x7f: {  	_ =	shalt  }
0x80: {  	_ =	shalt  }
0x81: {  	_ =	shalt  }
0x82: {  	_ =	shalt  }
0x83: {  	_ =	shalt  }
0x84: {  	_ =	shalt  }
0x85: {  	_ =	shalt  }
0x86: {  	_ =	shalt  }
0x87: {  	_ =	shalt  }
.Lfunc_end0:
.L_simem_size_0:
called_computation_lowered:
.L_overlay_start_0:
0x88: {  	s2 =	sld [smem:$0x3FD9]  }
0x89: {  	s3 =	sld [smem:$0x3FFE];
	_ =	sdelay $0x1  }
0x8a: {  	s1 =	srdreg.scid  }
0x8b: {  	s0 =	sand.u32 $0x1, s1  }
0x8c: {  	s18 =	sshll.u32 s0, $0xA;
	s2 =	sadd.s32 s3, s2  }
0x8d: {  	s2 =	sadd.s32 s2, s18  }
0x8e: {  	[smem:$0x3FC6] =	sst s2  }
0x8f: {  	_ = 	snop  }
0x90: {  	s2 =	sld [smem:$0x3FC9]  }
0x91: {  	s19 =	sld [smem:$0x3FC8]  }
0x92: {  	s4 =	sld [smem:$0x3FD0];
	(tm) =	ssettm $0x1  }
0x93: {  	s5 =	sld [smem:$0x3FFB];
	_ =	sdelay $0x3  }
0x94: {  	_ =	strace s5  }
0x95: {  	s5 =	sld [smem:$0x3FFC];
	_ =	sdelay $0x3  }
0x96: {  	_ =	strace s5  }
0x97: {  	s5 =	sld [smem:$0x3FFD];
	_ =	sdelay $0x3  }
0x98: {  	_ =	strace s5  }
0x99: {  	_ =	strace $0x8FFFFFFF  }
0x9a: {  	s20 =	sld [smem:$0x3FDB];
	_ =	sdelay $0x1  }
0x9b: {  	s6 =	simm.s32 $_scs_section_size  }
0x9c: {  	s7 =	simm.s32 $_size__tile_overlayer_lowered;
	s8 =	simm.s32 $_tile_overlayer_lowered  }
0x9d: {  	s23 =	simm.s32 $0x1BFF;
	s22 =	sshll.u32 s8, $0x1;
	s5 =	sadd.s32 s6, s20  }
0x9e: {  	s9 =	simm.s32 $0x0;
	s21 =	sshll.u32 s7, $0x1;
	s7 =	sadd.s32 s22, s5  }
0x9f: {  	[timem:s9], [sflag:s23] =	dma.local [hbm:s7], s21  }
0xa0: {  	_ =	swait.ge [sflag:s23], s21  }
0xa1: {  	s6 =	ssub.s32 $0x0, s21;
	[sflag:s23] =	ssyncset.done $0x0  }
0xa2: {  	[sflag:s23] =	ssyncadd.s32 s6;
	_ =	sdelay $0x1  }
0xa3: {  	s24 =	simm.s32 $0x1B8B  }
0xa4: {  	_ =	swait.ge [sflag:s24], $0x1  }
0xa5: {  	[sflag:s24] =	ssyncset.done $0x0  }
0xa6: {  	s25 =	simm.s32 $0x1B8E;
	[sflag:s24] =	ssyncadd.s32 $0xFFFFFFFF  }
0xa7: {  	s26 =	simm.s32 $execute0_lowered;
	[smem:$0x3FD2] =	sst s25  }
0xa8: {  	s6 =	sshll.u32 s26, $0x1;
	_ =	strace $0x80000046;
	[dreg:$0x1] =	wrdreg $0xFFFFFFFF  }
0xa9: {  	s28 =	simm.s32 $_size_execute0_lowered;
	s5 =	sadd.s32 s5, s6;
	[dreg:$0x0] =	wrdreg $0x0  }
0xaa: {  	s6 =	sshll.u32 s28, $0x1;
	[dreg:$0x2] =	wrdreg s5  }
0xab: {  	[dreg:$0x3] =	wrdreg s6  }
0xac: {  	[dreg:$0x4] =	wrdreg $0xC0  }
0xad: {  	_ =	task [dreg:s9], $0x5FFFF  }
0xae: {  	[dreg:$0x1] =	wrdreg $0xFFFFFFFF  }
0xaf: {  	[dreg:$0x0] =	wrdreg $0x60  }
0xb0: {  	[dreg:$0x2] =	wrdreg s2  }
0xb1: {  	[dreg:$0x3] =	wrdreg s19  }
0xb2: {  	[dreg:$0x4] =	wrdreg s4  }
0xb3: {  	[dreg:$0x5] =	wrdreg $0x9  }
0xb4: {  	_ =	task.clear_ibuf [dreg:s9], $0x6FFFF;
	_ =	strace $0x90000046  }
0xb5: {  	s29 =	simm.s32 $0x9;
	_ =	strace $0x80000048  }
0xb6: {  	_ =	swait.ge [sflag:s29], $0x1  }
0xb7: {  	[sflag:s29] =	ssyncadd.s32 $0xFFFFFFFF  }
0xb8: {  	_ =	strace $0x90000048  }
0xb9: {  	_ =	sfence  }
0xba: {  	s30 =	sld [smem:$0x0];
	_ =	sdelay $0x2  }
0xbb: {  	s31 =	sshll.u32 s1, $0xD;
	s1 =	sshrl.u32 s1, $0x2  }
0xbc: {  	s3 =	sand.u32 $0x4000, s31;
	s1 =	sadd.s32 s1, s30  }
0xbd: {  	s0 =	sor.u32 s3, s0;
	s1 =	sshll.u32 s1, $0x11  }
0xbe: {  	s0 =	sor.u32 s1, s0  }
0xbf: {  	s0 =	sadd.s32 $0x8F2B, s0  }
0xc0: {  	[sflag:s0] =	ssyncadd.remote.s32 $0x1  }
0xc1: {  	_ =	sfence.sel $0xFFFF  }
0xc2: {  	[dreg:$0x0] =	wrdreg $0xFFFFFFFF;
	(pc) =	sbr.abs _section_cstart, $3  }
0xc3: {  	[dreg:$0x1] =	wrdreg $0xFFFFFFFF  }
0xc4: {  	_ =	task.clear_ibuf [dreg:s9], $0x2FFFF;
	_ =	strace $0x9FFFFFFF  }
0xc5: {  	(tm) =	ssettm $0x7FFFFFFF  }
tec
execute0_lowered:
.L_overlay_start_1:
0x0: {  	(tag) =	ssettag $0x1  }
0x1: {  	s0 =	rddreg [dreg:$0x0]  }
0x2: {  	s1 =	srdreg.scid;
	s3 =	rddreg [dreg:$0x1]  }
0x3: {  	s7 =	rddreg [dreg:$0x2];
	s2 =	stileid.u32;
	s5 =	sand.u32 $0x1, s1  }
0x4: {  	s4 =	simm.s32 $0x0;
	s11 =	simm.s32 $0x1C900;
	s6 =	sshll.u32 s5, $0x4  }
0x5: {  	s12 =	simm.s32 $0x1;
	s13 =	simm.s32 $0x8000;
	s6 =	sor.u32 s2, s6  }
0x6: {  	s14 =	simm.s32 $0x8100;
	s15 =	simm.s32 $0x12500;
	s6 =	smul.u32 $0x4E2, s6  }
0x7: {  	s16 =	simm.s32 $0x4000;
	s18 =	simm.s32 $0x0;
	s5 =	ssub.s32 $0x2, s5  }
0x8: {  	s1 =	rddreg [dreg:$0x3];
	s8 =	sshrl.u32 s5, $0x1;
	s30 =	sadd.s32 $0x4E2, s6  }
0x9: {  	s31 =	sshll.u32 s6, $0x2;
	s6 =	sshrl.u32 s6, $0x2;
	s9 =	sshrl.u32 s30, $0x2  }
0xa: {  	s10 =	ssub.s32 s5, s8;
	s5 =	sand.u32 $0x3FF8, s6;
	s6 =	sand.u32 $0x7FF8, s9  }
0xb: {  	v2 =	vlaneseq.u32;
	v3 =	vimm.f32 $0.0e+00;
	v11 =	vimm.f32 $1.000000000e+00;
	[smem:$0x7FF] =	sst s4;
	s8 =	sand.u32 $0x3FF80, s31;
	s17 =	ssub.s32 s6, s5  }
0xc: {  	v4 =	vor.u32 $0x10, v2;
	v5 =	vor.u32 $0x20, v2;
	v6 =	vor.u32 $0x30, v2;
	_ =	strace $0x80000047;
	s7 =	sadd.s32 s7, s8;
	p0 =	seq.s32 s17, $0x140  }
0xd: {  	v7 =	vor.u32 $0x40, v2;
	v8 =	vor.u32 $0x50, v2;
	v9 =	vor.u32 $0x60, v2;
	s10 =	smax.u32 s10, $0x1;
	s8 =	sadd.s32 $0x800, s7;
	p1 =	sne.s32 @!p0 s17, $0x138  }
0xe: {  	v10 =	vor.u32 $0x70, v2;
	v0 =	vmov s5;
	s9 =	sadd.s32 $0x1000, s7;
	v1 =	vmov s17;
	s17 =	simm.s32 $0x8080;
	p1 =	por p1, p0  }
.LBB2_1:
0xf: {  	s21 =	simm.s32 $0x0;
	s20 =	simm.s32 $0x200  }
.LBB2_2:
0x10: {  	p2 =	sne.s32 s20, $0x28E00;
	[tilespmem:s21+$0x12500] =	vst v3;
	s19 =	simm.s32 $0x4E200  }
0x11: {  	[tilespmem:s21+$0x8100] =	vst v3  }
0x12: {  	[tilespmem:s21+$0x8110] =	vst v3  }
0x13: {  	[tilespmem:s21+$0x8120] =	vst v3  }
.Ltmp0:
0x14: {  	[tilespmem:s21+$0x8130] =	vst v3;
	(pc) =	sbr.rel @p2 .LBB2_2-.Ltmp0, $4  }
0x15: {  	[tilespmem:s21+$0x8140] =	vst v3  }
0x16: {  	[tilespmem:s21+$0x8150] =	vst v3  }
0x17: {  	[tilespmem:s21+$0x8160] =	vst v3  }
0x18: {  	[tilespmem:s21+$0x8170] =	vst v3;
	s21 =	sshra.s32 s20, $0x2;
	s20 =	sadd.s32 $0x200, s20  }
0x19: {  	[tilespmem:s21+$0x12500] =	vst v3  }
0x1a: {  	[tilespmem:s21+$0x8100] =	vst v3  }
0x1b: {  	[tilespmem:s21+$0x8110] =	vst v3  }
0x1c: {  	[tilespmem:s21+$0x8120] =	vst v3  }
0x1d: {  	[tilespmem:s21+$0x8130] =	vst v3  }
0x1e: {  	[tilespmem:s21+$0x8140] =	vst v3;
	s22 =	simm.s32 $0x27100;
	p2 =	por $0x1, $0x1  }
0x1f: {  	[tilespmem:s21+$0x8150] =	vst v3;
	s22 =	simm.s32 @!p2 $0x4E1F0  }
0x20: {  	[tilespmem:s21+$0x8160] =	vst v3;
	s23 =	sshrl.u32 s22, $0x3  }
0x21: {  	s20 =	simm.s32 $0x0;
	[tilespmem:s21+$0x8170] =	vst v3;
	s23 =	sadd.s32 s3, s23  }
0x22: {  	[tilespmem:s11], [sflag:$0x1] =	stream.linear.gather [hbm4b:s23+s20], $0x10, $0x38;
	[tilespmem:$0x1C980] =	vst v63  }
0x23: {  	_ =	swait.ge [sflag:s12], $0x10  }
0x24: {  	[sflag:s12] =	ssyncset.done $0x0  }
0x25: {  	[sflag:s12] =	ssyncadd.s32 $0xFFFFFFF0  }
0x26: {  	v12 =	vld [tilespmem:$0x1C900];
	_ =	sdelay $0x4  }
0x27: {  	(v2sf) =	vpush v12, $0x0;
	_ =	sdelay $0x1  }
0x28: {  	(v2sf) =	vpush v12, $0x1;
	_ =	sdelay $0x1  }
0x29: {  	(v2sf) =	vpush v12, $0x2;
	_ =	sdelay $0x1  }
0x2a: {  	(v2sf) =	vpush v12, $0x3;
	_ =	sdelay $0x1  }
0x2b: {  	(v2sf) =	vpush v12, $0x4;
	_ =	sdelay $0x1  }
0x2c: {  	(v2sf) =	vpush v12, $0x5;
	_ =	sdelay $0x1  }
0x2d: {  	(v2sf) =	vpush v12, $0x6  }
0x2e: {  	s29 =	simm.s32 $0x0;
	s28 =	simm.s32 $0x27100;
	s21 =	simm.s32 $0x0  }
0x2f: {  	s26 =	simm.s32 $0x4E200;
	s31 =	ssub.s32 $0x27100, s22;
	p2 =	seq.s32 s22, $0x27100;
	(v2sf) =	vpush v12, $0x7  }
0x30: {  	s24 =	simm.s32 @!p2 $0x0;
	p6 =	seq.s32 s31, $0xE;
	s22 =	spop (v2sf)  }
0x31: {  	s24 =	simm.s32 @p2 $0x1;
	(v2sf) =	vpush v12, $0x8;
	s22 =	simm.s32 @!p2 $0x0;
	p2 =	seq.s32 s31, $0x1  }
0x32: {  	[smem:$0x7F0] =	sst s24;
	s24 =	spop (v2sf);
	s25 =	simm.s32 @!p2 $0x0  }
0x33: {  	(v2sf) =	vpush v12, $0x9;
	s22 =	smov.u32 @p2 s24;
	s25 =	simm.s32 @p2 $0x1;
	p2 =	seq.s32 s31, $0x2  }
0x34: {  	s24 =	spop (v2sf);
	[smem:$0x7F1] =	sst s25;
	s25 =	simm.s32 @!p2 $0x0  }
0x35: {  	(v2sf) =	vpush v12, $0xA;
	s22 =	smov.u32 @p2 s24;
	s25 =	simm.s32 @p2 $0x1;
	p2 =	seq.s32 s31, $0x3  }
0x36: {  	s24 =	spop (v2sf);
	[smem:$0x7F2] =	sst s25;
	s25 =	simm.s32 @!p2 $0x0  }
0x37: {  	(v2sf) =	vpush v12, $0xB;
	s22 =	smov.u32 @p2 s24;
	s25 =	simm.s32 @p2 $0x1;
	p2 =	seq.s32 s31, $0x4  }
0x38: {  	s24 =	spop (v2sf);
	[smem:$0x7F3] =	sst s25;
	s25 =	simm.s32 @!p2 $0x0  }
0x39: {  	(v2sf) =	vpush v12, $0xC;
	s22 =	smov.u32 @p2 s24;
	s25 =	simm.s32 @p2 $0x1;
	p2 =	seq.s32 s31, $0x5  }
0x3a: {  	s24 =	spop (v2sf);
	[smem:$0x7F4] =	sst s25;
	s25 =	simm.s32 @!p2 $0x0  }
0x3b: {  	(v2sf) =	vpush v12, $0xD;
	s22 =	smov.u32 @p2 s24;
	s25 =	simm.s32 @p2 $0x1;
	p2 =	seq.s32 s31, $0x6  }
0x3c: {  	(v2sf) =	vpush v12, $0xE;
	s24 =	spop (v2sf);
	[smem:$0x7F5] =	sst s25;
	s25 =	simm.s32 @!p2 $0x0  }
0x3d: {  	(v2sf) =	vpush v12, $0xF;
	s22 =	smov.u32 @p2 s24;
	s25 =	simm.s32 @p2 $0x1;
	p2 =	seq.s32 s31, $0x7  }
0x3e: {  	s24 =	spop (v2sf);
	[smem:$0x7F6] =	sst s25;
	s25 =	simm.s32 @!p2 $0x0  }
0x3f: {  	s22 =	smov.u32 @p2 s24;
	s25 =	simm.s32 @p2 $0x1;
	p2 =	seq.s32 s31, $0x8  }
0x40: {  	s24 =	spop (v2sf);
	[smem:$0x7F7] =	sst s25;
	s25 =	simm.s32 @!p2 $0x0  }
0x41: {  	s22 =	smov.u32 @p2 s24;
	s25 =	simm.s32 @p2 $0x1;
	p2 =	seq.s32 s31, $0x9  }
0x42: {  	s24 =	spop (v2sf);
	[smem:$0x7F8] =	sst s25;
	s25 =	simm.s32 @!p2 $0x0  }
0x43: {  	s22 =	smov.u32 @p2 s24;
	s25 =	simm.s32 @p2 $0x1;
	p2 =	seq.s32 s31, $0xA  }
0x44: {  	s24 =	spop (v2sf);
	[smem:$0x7F9] =	sst s25;
	s25 =	simm.s32 @!p2 $0x0  }
0x45: {  	s22 =	smov.u32 @p2 s24;
	s25 =	simm.s32 @p2 $0x1;
	p2 =	seq.s32 s31, $0xB  }
0x46: {  	s24 =	spop (v2sf);
	[smem:$0x7FA] =	sst s25;
	s25 =	simm.s32 @!p2 $0x0  }
0x47: {  	s22 =	smov.u32 @p2 s24;
	s25 =	simm.s32 @p2 $0x1;
	p2 =	seq.s32 s31, $0xC  }
0x48: {  	s24 =	spop (v2sf);
	[smem:$0x7FB] =	sst s25;
	s25 =	simm.s32 @!p2 $0x0  }
0x49: {  	s22 =	smov.u32 @p2 s24;
	s25 =	simm.s32 @p2 $0x1;
	p2 =	seq.s32 s31, $0xD  }
0x4a: {  	s24 =	spop (v2sf);
	[smem:$0x7FC] =	sst s25;
	s25 =	simm.s32 @!p2 $0x0  }
0x4b: {  	s22 =	smov.u32 @p2 s24;
	s24 =	spop (v2sf);
	s25 =	simm.s32 @p2 $0x1  }
0x4c: {  	s22 =	smov.u32 @p6 s24;
	s24 =	spop (v2sf);
	p2 =	seq.s32 s31, $0xF  }
0x4d: {  	p4 =	por $0x1, $0x1;
	[smem:$0x7FD] =	sst s25;
	s22 =	smov.u32 @p2 s24  }
0x4e: {  	s24 =	simm.s32 $0x27101;
	s25 =	simm.s32 $0x12;
	p3 =	slt.s32 s22, s5  }
0x4f: {  	s22 =	simm.s32 $0x27100;
	s29 =	smov.u32 @p3 s24;
	s28 =	smov.u32 @p3 s19  }
.LBB2_4:
0x50: {  	p3 =	sne.s32 s25, $0x1;
	s21 =	smov.u32 @p4 s29;
	s26 =	smov.u32 @p4 s28  }
0x51: {  	s25 =	sadd.s32 $0xFFFFFFFF, s25  }
0x52: {  	s28 =	sadd.s32 s21, s26  }
0x53: {  	s29 =	sshra.s32 s28, $0x1F;
	s30 =	sshrl.u32 s28, $0x1F  }
0x54: {  	s29 =	sshrl.u32 s29, $0x1C;
	s30 =	sadd.s32 s30, s28  }
0x55: {  	s28 =	sadd.s32 s29, s28  }
0x56: {  	s28 =	sshra.s32 s28, $0x4  }
0x57: {  	s31 =	sshll.u32 s28, $0x3  }
0x58: {  	p4 =	slt.s32 s31, $0x4E1F0  }
0x59: {  	s28 =	sshra.s32 s30, $0x1;
	s31 =	simm.s32 @!p4 $0x4E1F0  }
0x5a: {  	s30 =	sshrl.u32 s31, $0x3;
	s29 =	ssub.s32 s28, s31  }
0x5b: {  	s30 =	sadd.s32 s3, s30  }
0x5c: {  	[tilespmem:s11], [sflag:$0x1] =	stream.linear.gather [hbm4b:s30+s20], $0x10, $0x38;
	[tilespmem:$0x1C980] =	vst v63  }
0x5d: {  	_ =	swait.ge [sflag:s12], $0x10  }
0x5e: {  	[sflag:s12] =	ssyncset.done $0x0  }
0x5f: {  	[sflag:s12] =	ssyncadd.s32 $0xFFFFFFF0  }
0x60: {  	v12 =	vld [tilespmem:$0x1C900];
	_ =	sdelay $0x4  }
0x61: {  	(v2sf) =	vpush v12, $0x0  }
0x62: {  	(v2sf) =	vpush v12, $0x1  }
0x63: {  	(v2sf) =	vpush v12, $0x2  }
0x64: {  	(v2sf) =	vpush v12, $0x3  }
0x65: {  	(v2sf) =	vpush v12, $0x4  }
0x66: {  	(v2sf) =	vpush v12, $0x5  }
0x67: {  	(v2sf) =	vpush v12, $0x6  }
0x68: {  	(v2sf) =	vpush v12, $0x7  }
0x69: {  	(v2sf) =	vpush v12, $0x8  }
0x6a: {  	(v2sf) =	vpush v12, $0x9  }
0x6b: {  	(v2sf) =	vpush v12, $0xA  }
0x6c: {  	(v2sf) =	vpush v12, $0xB  }
0x6d: {  	(v2sf) =	vpush v12, $0xC  }
0x6e: {  	(v2sf) =	vpush v12, $0xD  }
0x6f: {  	(v2sf) =	vpush v12, $0xE  }
0x70: {  	p4 =	seq.s32 s28, s31;
	s30 =	spop (v2sf);
	(v2sf) =	vpush v12, $0xF  }
0x71: {  	s30 =	simm.s32 @!p4 $0x0;
	p4 =	seq.s32 s29, $0x1;
	s31 =	spop (v2sf)  }
0x72: {  	s30 =	smov.u32 @p4 s31;
	p4 =	seq.s32 s29, $0x2;
	s31 =	spop (v2sf)  }
0x73: {  	s30 =	smov.u32 @p4 s31;
	p4 =	seq.s32 s29, $0x3;
	s31 =	spop (v2sf)  }
0x74: {  	s30 =	smov.u32 @p4 s31;
	p4 =	seq.s32 s29, $0x4;
	s31 =	spop (v2sf)  }
0x75: {  	s30 =	smov.u32 @p4 s31;
	p4 =	seq.s32 s29, $0x5;
	s31 =	spop (v2sf)  }
0x76: {  	s30 =	smov.u32 @p4 s31;
	p4 =	seq.s32 s29, $0x6;
	s31 =	spop (v2sf)  }
0x77: {  	s30 =	smov.u32 @p4 s31;
	p4 =	seq.s32 s29, $0x7;
	s31 =	spop (v2sf)  }
0x78: {  	s30 =	smov.u32 @p4 s31;
	p4 =	seq.s32 s29, $0x8;
	s31 =	spop (v2sf)  }
0x79: {  	s30 =	smov.u32 @p4 s31;
	p4 =	seq.s32 s29, $0x9;
	s31 =	spop (v2sf)  }
0x7a: {  	s30 =	smov.u32 @p4 s31;
	p4 =	seq.s32 s29, $0xA;
	s31 =	spop (v2sf)  }
0x7b: {  	s30 =	smov.u32 @p4 s31;
	p4 =	seq.s32 s29, $0xB;
	s31 =	spop (v2sf)  }
0x7c: {  	s30 =	smov.u32 @p4 s31;
	p4 =	seq.s32 s29, $0xC;
	s31 =	spop (v2sf)  }
0x7d: {  	s30 =	smov.u32 @p4 s31;
	p4 =	seq.s32 s29, $0xD;
	s31 =	spop (v2sf)  }
0x7e: {  	s30 =	smov.u32 @p4 s31  }
.Ltmp1:
0x7f: {  	p4 =	seq.s32 s29, $0xE;
	s31 =	spop (v2sf);
	(pc) =	sbr.rel @p3 .LBB2_4-.Ltmp1, $4  }
0x80: {  	s30 =	smov.u32 @p4 s31;
	p4 =	seq.s32 s29, $0xF;
	s29 =	spop (v2sf)  }
0x81: {  	s30 =	smov.u32 @p4 s29  }
0x82: {  	s29 =	smov.u32 s21;
	p5 =	slt.s32 s30, s5;
	s30 =	sadd.s32 $0x1, s28  }
0x83: {  	p4 =	slt.s32 s21, s26;
	s29 =	smov.u32 @p5 s30;
	s28 =	smov.u32 @p5 s26  }
0x84: {  	[tilespmem:s11], [sflag:$0x1] =	stream.linear.gather [hbm4b:s23+s4], $0x10, $0x38;
	[tilespmem:$0x1C980] =	vst v63  }
0x85: {  	_ =	swait.ge [sflag:s12], $0x10  }
0x86: {  	[sflag:s12] =	ssyncset.done $0x0  }
0x87: {  	[sflag:s12] =	ssyncadd.s32 $0xFFFFFFF0  }
0x88: {  	v12 =	vld [tilespmem:$0x1C900];
	_ =	sdelay $0x4  }
0x89: {  	(v2sf) =	vpush v12, $0x0  }
0x8a: {  	(v2sf) =	vpush v12, $0x1;
	_ =	sdelay $0x1  }
0x8b: {  	(v2sf) =	vpush v12, $0x2  }
0x8c: {  	(v2sf) =	vpush v12, $0x3;
	_ =	sdelay $0x1  }
0x8d: {  	(v2sf) =	vpush v12, $0x4  }
0x8e: {  	(v2sf) =	vpush v12, $0x5;
	_ =	sdelay $0x1  }
0x8f: {  	(v2sf) =	vpush v12, $0x6  }
0x90: {  	s26 =	sld [smem:$0x7F0];
	(v2sf) =	vpush v12, $0x7;
	_ =	sdelay $0x1  }
0x91: {  	(v2sf) =	vpush v12, $0x8  }
0x92: {  	p3 =	seq.s32 s26, $0x1;
	s26 =	sld [smem:$0x7F1];
	(v2sf) =	vpush v12, $0x9  }
0x93: {  	s28 =	sld [smem:$0x7F2]  }
0x94: {  	s30 =	sld [smem:$0x7F3];
	(v2sf) =	vpush v12, $0xA;
	s25 =	spop (v2sf)  }
0x95: {  	(v2sf) =	vpush v12, $0xB;
	s25 =	simm.s32 @!p3 $0x0;
	s23 =	spop (v2sf);
	p3 =	seq.s32 s26, $0x1  }
0x96: {  	s31 =	sld [smem:$0x7F4];
	(v2sf) =	vpush v12, $0xC;
	s25 =	smov.u32 @p3 s23  }
0x97: {  	(v2sf) =	vpush v12, $0xD;
	s23 =	spop (v2sf);
	p3 =	seq.s32 s28, $0x1;
	s28 =	sld [smem:$0x7F5]  }
0x98: {  	(v2sf) =	vpush v12, $0xE;
	s25 =	smov.u32 @p3 s23;
	s23 =	spop (v2sf);
	p3 =	seq.s32 s30, $0x1  }
0x99: {  	(v2sf) =	vpush v12, $0xF;
	s30 =	sld [smem:$0x7F6];
	s25 =	smov.u32 @p3 s23  }
0x9a: {  	s23 =	spop (v2sf);
	p3 =	seq.s32 s31, $0x1;
	s31 =	sld [smem:$0x7F7]  }
0x9b: {  	s25 =	smov.u32 @p3 s23;
	s23 =	spop (v2sf);
	p3 =	seq.s32 s28, $0x1  }
0x9c: {  	s28 =	sld [smem:$0x7F8];
	s25 =	smov.u32 @p3 s23  }
0x9d: {  	s23 =	spop (v2sf);
	p3 =	seq.s32 s30, $0x1;
	s30 =	sld [smem:$0x7F9]  }
0x9e: {  	s25 =	smov.u32 @p3 s23;
	s23 =	spop (v2sf);
	p3 =	seq.s32 s31, $0x1  }
0x9f: {  	s31 =	sld [smem:$0x7FA];
	s25 =	smov.u32 @p3 s23  }
0xa0: {  	s23 =	spop (v2sf);
	p3 =	seq.s32 s28, $0x1;
	s28 =	sld [smem:$0x7FB]  }
0xa1: {  	s25 =	smov.u32 @p3 s23;
	s23 =	spop (v2sf);
	p3 =	seq.s32 s30, $0x1  }
0xa2: {  	s30 =	sld [smem:$0x7FC];
	s25 =	smov.u32 @p3 s23  }
0xa3: {  	s23 =	spop (v2sf);
	p3 =	seq.s32 s31, $0x1;
	s31 =	sld [smem:$0x7FD]  }
0xa4: {  	s25 =	smov.u32 @p3 s23;
	s23 =	spop (v2sf);
	p3 =	seq.s32 s28, $0x1  }
0xa5: {  	s25 =	smov.u32 @p3 s23;
	s23 =	spop (v2sf);
	p3 =	seq.s32 s30, $0x1  }
0xa6: {  	s25 =	smov.u32 @p3 s23;
	s23 =	spop (v2sf);
	p3 =	seq.s32 s31, $0x1  }
0xa7: {  	s25 =	smov.u32 @p3 s23;
	s23 =	spop (v2sf)  }
0xa8: {  	s25 =	smov.u32 @p6 s23;
	s23 =	spop (v2sf)  }
0xa9: {  	s21 =	smov.u32 @p4 s29;
	s25 =	smov.u32 @p2 s23  }
0xaa: {  	p3 =	por $0x1, $0x1;
	p2 =	slt.s32 s25, s6;
	s25 =	simm.s32 $0x0  }
0xab: {  	s23 =	simm.s32 $0x12;
	s25 =	smov.u32 @p2 s24;
	s22 =	smov.u32 @p2 s19  }
.LBB2_6:
0xac: {  	p2 =	sne.s32 s23, $0x1;
	s20 =	smov.u32 @p3 s25;
	s19 =	smov.u32 @p3 s22  }
0xad: {  	s23 =	sadd.s32 $0xFFFFFFFF, s23  }
0xae: {  	s22 =	sadd.s32 s20, s19  }
0xaf: {  	s24 =	sshra.s32 s22, $0x1F;
	s25 =	sshrl.u32 s22, $0x1F  }
0xb0: {  	s24 =	sshrl.u32 s24, $0x1C;
	s25 =	sadd.s32 s25, s22  }
0xb1: {  	s22 =	sadd.s32 s24, s22  }
0xb2: {  	s22 =	sshra.s32 s22, $0x4  }
0xb3: {  	s26 =	sshll.u32 s22, $0x3  }
0xb4: {  	p3 =	slt.s32 s26, $0x4E1F0  }
0xb5: {  	s22 =	sshra.s32 s25, $0x1;
	s26 =	simm.s32 @!p3 $0x4E1F0  }
0xb6: {  	s25 =	sshrl.u32 s26, $0x3;
	s24 =	ssub.s32 s22, s26  }
0xb7: {  	s25 =	sadd.s32 s3, s25  }
0xb8: {  	[tilespmem:s11], [sflag:$0x1] =	stream.linear.gather [hbm4b:s25+s4], $0x10, $0x38;
	[tilespmem:$0x1C980] =	vst v63  }
0xb9: {  	_ =	swait.ge [sflag:s12], $0x10  }
0xba: {  	[sflag:s12] =	ssyncset.done $0x0  }
0xbb: {  	[sflag:s12] =	ssyncadd.s32 $0xFFFFFFF0  }
0xbc: {  	v12 =	vld [tilespmem:$0x1C900];
	_ =	sdelay $0x4  }
0xbd: {  	(v2sf) =	vpush v12, $0x0  }
0xbe: {  	(v2sf) =	vpush v12, $0x1  }
0xbf: {  	(v2sf) =	vpush v12, $0x2  }
0xc0: {  	(v2sf) =	vpush v12, $0x3  }
0xc1: {  	(v2sf) =	vpush v12, $0x4  }
0xc2: {  	(v2sf) =	vpush v12, $0x5  }
0xc3: {  	(v2sf) =	vpush v12, $0x6  }
0xc4: {  	(v2sf) =	vpush v12, $0x7  }
0xc5: {  	(v2sf) =	vpush v12, $0x8  }
0xc6: {  	(v2sf) =	vpush v12, $0x9  }
0xc7: {  	(v2sf) =	vpush v12, $0xA  }
0xc8: {  	(v2sf) =	vpush v12, $0xB  }
0xc9: {  	(v2sf) =	vpush v12, $0xC  }
0xca: {  	(v2sf) =	vpush v12, $0xD  }
0xcb: {  	(v2sf) =	vpush v12, $0xE  }
0xcc: {  	p3 =	seq.s32 s22, s26;
	s25 =	spop (v2sf);
	(v2sf) =	vpush v12, $0xF  }
0xcd: {  	s25 =	simm.s32 @!p3 $0x0;
	p3 =	seq.s32 s24, $0x1;
	s26 =	spop (v2sf)  }
0xce: {  	s25 =	smov.u32 @p3 s26;
	p3 =	seq.s32 s24, $0x2;
	s26 =	spop (v2sf)  }
0xcf: {  	s25 =	smov.u32 @p3 s26;
	p3 =	seq.s32 s24, $0x3;
	s26 =	spop (v2sf)  }
0xd0: {  	s25 =	smov.u32 @p3 s26;
	p3 =	seq.s32 s24, $0x4;
	s26 =	spop (v2sf)  }
0xd1: {  	s25 =	smov.u32 @p3 s26;
	p3 =	seq.s32 s24, $0x5;
	s26 =	spop (v2sf)  }
0xd2: {  	s25 =	smov.u32 @p3 s26;
	p3 =	seq.s32 s24, $0x6;
	s26 =	spop (v2sf)  }
0xd3: {  	s25 =	smov.u32 @p3 s26;
	p3 =	seq.s32 s24, $0x7;
	s26 =	spop (v2sf)  }
0xd4: {  	s25 =	smov.u32 @p3 s26;
	p3 =	seq.s32 s24, $0x8;
	s26 =	spop (v2sf)  }
0xd5: {  	s25 =	smov.u32 @p3 s26;
	p3 =	seq.s32 s24, $0x9;
	s26 =	spop (v2sf)  }
0xd6: {  	s25 =	smov.u32 @p3 s26;
	p3 =	seq.s32 s24, $0xA;
	s26 =	spop (v2sf)  }
0xd7: {  	s25 =	smov.u32 @p3 s26;
	p3 =	seq.s32 s24, $0xB;
	s26 =	spop (v2sf)  }
0xd8: {  	s25 =	smov.u32 @p3 s26;
	p3 =	seq.s32 s24, $0xC;
	s26 =	spop (v2sf)  }
0xd9: {  	s25 =	smov.u32 @p3 s26;
	p3 =	seq.s32 s24, $0xD;
	s26 =	spop (v2sf)  }
0xda: {  	s25 =	smov.u32 @p3 s26  }
.Ltmp2:
0xdb: {  	p3 =	seq.s32 s24, $0xE;
	s26 =	spop (v2sf);
	(pc) =	sbr.rel @p2 .LBB2_6-.Ltmp2, $4  }
0xdc: {  	s25 =	smov.u32 @p3 s26;
	p3 =	seq.s32 s24, $0xF;
	s24 =	spop (v2sf)  }
0xdd: {  	s25 =	smov.u32 @p3 s24  }
0xde: {  	s24 =	sadd.s32 $0x1, s22;
	p4 =	slt.s32 s25, s6;
	s25 =	smov.u32 s20  }
0xdf: {  	p3 =	slt.s32 s20, s19;
	s25 =	smov.u32 @p4 s24;
	s22 =	smov.u32 @p4 s19  }
0xe0: {  	s20 =	smov.u32 @p3 s25  }
0xe1: {  	s19 =	sadd.s32 $0x7F, s20  }
0xe2: {  	s30 =	sshra.s32 s21, $0x1F;
	s22 =	sshra.s32 s19, $0x1F  }
0xe3: {  	s20 =	sshrl.u32 s30, $0x19;
	s22 =	sshrl.u32 s22, $0x19  }
0xe4: {  	s20 =	sadd.s32 s20, s21;
	s31 =	sadd.s32 s22, s19  }
0xe5: {  	s19 =	sshra.s32 s20, $0x7;
	s20 =	sshra.s32 s31, $0x7  }
0xe6: {  	s21 =	ssub.s32 s20, s19  }
0xe7: {  	p2 =	slt.s32 s21, $0x1  }
.Ltmp3:
0xe8: {  	_ = 	snop;
	(pc) =	sbr.rel @p2 .LBB2_18-.Ltmp3, $1  }
0xe9: {  	_ =	sdelay $0x3  }
.Ltmp4:
0xea: {  	(pc) =	sbr.rel .LBB2_9-.Ltmp4, $3  }
0xeb: {  	_ =	sdelay $0x1  }
0xec: {  	s21 =	sadd.s32 $0x1, s21  }
0xed: {  	s22 =	simm.s32 $0x0;
	s21 =	sshrl.u32 s21, $0x1  }
.LBB2_17:
0xee: {  	s22 =	sadd.s32 $0x1, s22  }
0xef: {  	p2 =	sne.s32 s22, s21  }
.Ltmp5:
0xf0: {  	_ = 	snop;
	(pc) =	sbr.rel @!p2 .LBB2_18-.Ltmp5, $1  }
0xf1: {  	_ =	sdelay $0x3  }
.LBB2_9:
0xf2: {  	s23 =	sshll.u32 s22, $0x1  }
0xf3: {  	s23 =	sadd.s32 s19, s23  }
0xf4: {  	p2 =	sge.s32 s23, s20  }
.Ltmp6:
0xf5: {  	_ = 	snop;
	(pc) =	sbr.rel @p2 .LBB2_13-.Ltmp6, $1  }
0xf6: {  	_ =	sdelay $0x3  }
0xf7: {  	s24 =	sshll.u32 s23, $0xB  }
0xf8: {  	s24 =	sand.u32 $0x1FFFF800, s24  }
0xf9: {  	s25 =	simm.s32 $0x0;
	s24 =	sadd.s32 s0, s24  }
0xfa: {  	[tilespmem:s25], [sflag:$0x1] =	stream.linear.gather [hbm4b:s24+s25], $0x4000, $0x38;
	[tilespmem:$0x1C980] =	vst v63  }
0xfb: {  	s31 =	sshll.u32 s23, $0x4;
	_ =	swait.ge [sflag:s12], $0x4000  }
0xfc: {  	s24 =	sand.u32 $0x1FFFFFF0, s31;
	[sflag:s12] =	ssyncset.done $0x0  }
0xfd: {  	v12 =	vmov s25;
	s24 =	sadd.s32 s3, s24;
	[sflag:s12] =	ssyncadd.s32 $0xFFFFC000  }
0xfe: {  	v13 =	vor.u32 $0x1, v12;
	[tilespmem:s13], [sflag:$0x1] =	stream.linear.gather [hbm4b:s24+s25], $0x80, $0x38;
	[tilespmem:$0x1C980] =	vst v63  }
0xff: {  	_ =	swait.ge [sflag:s12], $0x80  }
0x100: {  	[sflag:s12] =	ssyncset.done $0x0  }
0x101: {  	[sflag:s12] =	ssyncadd.s32 $0xFFFFFF80  }
0x102: {  	v14 =	vld.idx.msk [tilespmem:v12+s13+$0x0], $0xffff  }
0x103: {  	s24 =	simm.s32 $0x80;
	v15 =	vld.idx.msk [tilespmem:v13+s13+$0x0], $0xffff  }
0x104: {  	v12 =	vld [tilespmem:s24+$0x70]  }
0x105: {  	v13 =	vld [tilespmem:s24+$0x60]  }
0x106: {  	v18 =	vld [tilespmem:s24+$0x50]  }
0x107: {  	v17 =	vld [tilespmem:s24+$0x40]  }
0x108: {  	v19 =	vld [tilespmem:s24+$0x30]  }
0x109: {  	v20 =	vld [tilespmem:s24+$0xFFFFFFE0];
	v16 =	vsub.s32 v14, v0  }
0x10a: {  	v21 =	vld [tilespmem:s24+$0xFFFFFFD0];
	v14 =	vand.u32 $0x7, v14;
	v22 =	vsub.s32 v15, v0;
	v15 =	vand.u32 $0x7, v15  }
0x10b: {  	v23 =	vld [tilespmem:s24+$0xFFFFFFC0];
	vm0 =	vgt.s32 v16, $0xFFFFFFFF;
	vm1 =	vlt.s32 v16, v1;
	v14 =	vor.u32 $0x140, v14  }
0x10c: {  	v24 =	vld [tilespmem:s24+$0xFFFFFFB0];
	vm14 =	vlt.s32 v22, v1;
	vm2 =	vgt.s32 v22, $0xFFFFFFFF;
	vm0 =	vmand vm0, vm1  }
0x10d: {  	v25 =	vld [tilespmem:s24+$0xFFFFFF80];
	v15 =	vor.u32 $0x140, v15;
	vm15 =	vmand vm2, vm14;
	v14 =	vsel vm0, v16, v14  }
0x10e: {  	v55 =	vld [tilespmem:s24+$0x0];
	v15 =	vsel vm15, v22, v15;
	v26 =	vshll.u32 v14, $0x7  }
0x10f: {  	v27 =	vld [tilespmem:s24+$0xFFFFFF90];
	v28 =	vshll.u32 v15, $0x7;
	v14 =	vor.u32 v2, v26  }
0x110: {  	v29 =	vld [tilespmem:s24+$0x10];
	v15 =	vor.u32 v2, v28  }
0x111: {  	v30 =	vld [tilespmem:s24+$0xFFFFFFA0];
	v31 =	vor.u32 v4, v26  }
0x112: {  	v32 =	vld [tilespmem:s24+$0x20];
	v33 =	vor.u32 v4, v28  }
0x113: {  	v16 =	vld [tilespmem:s24+$0xFFFFFFF0];
	v34 =	vor.u32 v5, v26  }
0x114: {  	v56 =	vor.u32 v5, v28;
	[tilespmem:v14+s14+$0x0] =	vst.idx.add.f32.msk $0xffff, v25  }
0x115: {  	v57 =	vor.u32 v6, v26;
	[tilespmem:v15+s14+$0x0] =	vst.idx.add.f32.msk $0xffff, v55  }
0x116: {  	v58 =	vor.u32 v6, v28;
	[tilespmem:v31+s14+$0x0] =	vst.idx.add.f32.msk $0xffff, v27  }
0x117: {  	v59 =	vor.u32 v7, v26;
	[tilespmem:v33+s14+$0x0] =	vst.idx.add.f32.msk $0xffff, v29  }
0x118: {  	v60 =	vor.u32 v7, v28;
	[tilespmem:v34+s14+$0x0] =	vst.idx.add.f32.msk $0xffff, v30  }
0x119: {  	v61 =	vor.u32 v8, v26;
	[tilespmem:v56+s14+$0x0] =	vst.idx.add.f32.msk $0xffff, v32  }
0x11a: {  	v62 =	vor.u32 v8, v28;
	[tilespmem:v57+s14+$0x0] =	vst.idx.add.f32.msk $0xffff, v24  }
0x11b: {  	[tilespmem:v58+s14+$0x0] =	vst.idx.add.f32.msk $0xffff, v19  }
0x11c: {  	[tilespmem:v59+s14+$0x0] =	vst.idx.add.f32.msk $0xffff, v23  }
0x11d: {  	v63 =	vor.u32 v9, v26;
	[tilespmem:v60+s14+$0x0] =	vst.idx.add.f32.msk $0xffff, v17  }
0x11e: {  	v17 =	vor.u32 v9, v28;
	[tilespmem:v61+s14+$0x0] =	vst.idx.add.f32.msk $0xffff, v21  }
0x11f: {  	[tilespmem:v62+s14+$0x0] =	vst.idx.add.f32.msk $0xffff, v18;
	v18 =	vor.u32 v10, v26  }
0x120: {  	v19 =	vor.u32 v10, v28;
	_ =	sdelay $0x1  }
0x121: {  	s25 =	simm.s32 $0x2;
	[tilespmem:v63+s14+$0x0] =	vst.idx.add.f32.msk $0xffff, v20  }
.LBB2_11:
0x122: {  	v20 =	vmov s25;
	p2 =	sne.s32 s25, $0x7E;
	s25 =	sadd.s32 $0x2, s25;
	[tilespmem:v17+s14+$0x0] =	vst.idx.add.f32.msk $0xffff, v13  }
0x123: {  	v13 =	vor.u32 $0x1, v20;
	[tilespmem:v18+s14+$0x0] =	vst.idx.add.f32.msk $0xffff, v16  }
0x124: {  	[tilespmem:v19+s14+$0x0] =	vst.idx.add.f32.msk $0xffff, v12  }
0x125: {  	[tilespmem:v14+s15+$0x0] =	vst.idx.add.f32.msk $0xffff, v11  }
0x126: {  	[tilespmem:v15+s15+$0x0] =	vst.idx.add.f32.msk $0xffff, v11  }
0x127: {  	v14 =	vld.idx.msk [tilespmem:v20+s13+$0x0], $0xffff  }
0x128: {  	s24 =	sadd.s32 $0x100, s24;
	v15 =	vld.idx.msk [tilespmem:v13+s13+$0x0], $0xffff  }
0x129: {  	v12 =	vld [tilespmem:s24+$0x70]  }
0x12a: {  	v13 =	vld [tilespmem:s24+$0x60]  }
0x12b: {  	v20 =	vld [tilespmem:s24+$0x50]  }
0x12c: {  	v18 =	vld [tilespmem:s24+$0x40]  }
0x12d: {  	v16 =	vsub.s32 v14, v0;
	v14 =	vand.u32 $0x7, v14;
	v17 =	vld [tilespmem:s24+$0x30]  }
0x12e: {  	vm0 =	vgt.s32 v16, $0xFFFFFFFF;
	vm1 =	vlt.s32 v16, v1;
	v19 =	vsub.s32 v15, v0;
	v21 =	vld [tilespmem:s24+$0xFFFFFFE0]  }
0x12f: {  	v14 =	vor.u32 $0x140, v14;
	v15 =	vand.u32 $0x7, v15;
	vm0 =	vmand vm0, vm1;
	v22 =	vld [tilespmem:s24+$0xFFFFFFD0]  }
0x130: {  	v15 =	vor.u32 $0x140, v15;
	v14 =	vsel vm0, v16, v14;
	vm0 =	vlt.s32 v19, v1;
	v23 =	vld [tilespmem:s24+$0xFFFFFFC0]  }
0x131: {  	vm1 =	vgt.s32 v19, $0xFFFFFFFF;
	v25 =	vshll.u32 v14, $0x7;
	v24 =	vld [tilespmem:s24+$0xFFFFFFB0]  }
0x132: {  	vm0 =	vmand vm1, vm0;
	v26 =	vld [tilespmem:s24+$0xFFFFFF80]  }
0x133: {  	v15 =	vsel vm0, v19, v15;
	v19 =	vld [tilespmem:s24+$0x0]  }
0x134: {  	v14 =	vor.u32 v2, v25;
	v28 =	vshll.u32 v15, $0x7;
	v27 =	vld [tilespmem:s24+$0xFFFFFF90]  }
0x135: {  	v15 =	vor.u32 v2, v28;
	v29 =	vld [tilespmem:s24+$0x10]  }
0x136: {  	v31 =	vor.u32 v4, v25;
	v30 =	vld [tilespmem:s24+$0xFFFFFFA0]  }
0x137: {  	v33 =	vor.u32 v4, v28;
	v32 =	vld [tilespmem:s24+$0x20]  }
0x138: {  	v34 =	vor.u32 v5, v25;
	v16 =	vld [tilespmem:s24+$0xFFFFFFF0]  }
0x139: {  	[tilespmem:v14+s14+$0x0] =	vst.idx.add.f32.msk $0xffff, v26;
	v26 =	vor.u32 v5, v28  }
0x13a: {  	[tilespmem:v15+s14+$0x0] =	vst.idx.add.f32.msk $0xffff, v19;
	v19 =	vor.u32 v6, v25  }
0x13b: {  	[tilespmem:v31+s14+$0x0] =	vst.idx.add.f32.msk $0xffff, v27;
	v27 =	vor.u32 v6, v28  }
0x13c: {  	[tilespmem:v33+s14+$0x0] =	vst.idx.add.f32.msk $0xffff, v29;
	v29 =	vor.u32 v7, v25  }
0x13d: {  	[tilespmem:v34+s14+$0x0] =	vst.idx.add.f32.msk $0xffff, v30;
	v30 =	vor.u32 v7, v28  }
0x13e: {  	[tilespmem:v26+s14+$0x0] =	vst.idx.add.f32.msk $0xffff, v32;
	v26 =	vor.u32 v8, v25  }
0x13f: {  	[tilespmem:v19+s14+$0x0] =	vst.idx.add.f32.msk $0xffff, v24;
	v24 =	vor.u32 v8, v28  }
0x140: {  	[tilespmem:v27+s14+$0x0] =	vst.idx.add.f32.msk $0xffff, v17;
	v27 =	vor.u32 v9, v25  }
.Ltmp7:
0x141: {  	v17 =	vor.u32 v9, v28;
	[tilespmem:v29+s14+$0x0] =	vst.idx.add.f32.msk $0xffff, v23;
	(pc) =	sbr.rel @p2 .LBB2_11-.Ltmp7, $4  }
0x142: {  	[tilespmem:v30+s14+$0x0] =	vst.idx.add.f32.msk $0xffff, v18;
	v18 =	vor.u32 v10, v25  }
0x143: {  	v19 =	vor.u32 v10, v28;
	[tilespmem:v26+s14+$0x0] =	vst.idx.add.f32.msk $0xffff, v22  }
0x144: {  	[tilespmem:v24+s14+$0x0] =	vst.idx.add.f32.msk $0xffff, v20  }
0x145: {  	[tilespmem:v27+s14+$0x0] =	vst.idx.add.f32.msk $0xffff, v21  }
0x146: {  	_ =	sdelay $0x3  }
0x147: {  	[tilespmem:v17+s14+$0x0] =	vst.idx.add.f32.msk $0xffff, v13  }
0x148: {  	[tilespmem:v18+s14+$0x0] =	vst.idx.add.f32.msk $0xffff, v16  }
0x149: {  	[tilespmem:v19+s14+$0x0] =	vst.idx.add.f32.msk $0xffff, v12  }
0x14a: {  	[tilespmem:v14+s15+$0x0] =	vst.idx.add.f32.msk $0xffff, v11  }
0x14b: {  	[tilespmem:v15+s15+$0x0] =	vst.idx.add.f32.msk $0xffff, v11  }
.LBB2_13:
0x14c: {  	s23 =	sadd.s32 $0x1, s23  }
0x14d: {  	p2 =	sge.s32 s23, s20  }
.Ltmp8:
0x14e: {  	_ = 	snop;
	(pc) =	sbr.rel @p2 .LBB2_17-.Ltmp8, $1  }
0x14f: {  	_ =	sdelay $0x3  }
0x150: {  	s24 =	sshll.u32 s23, $0xB  }
0x151: {  	s24 =	sand.u32 $0x1FFFF800, s24  }
0x152: {  	s25 =	simm.s32 $0x0;
	s24 =	sadd.s32 s0, s24  }
0x153: {  	[tilespmem:s16], [sflag:$0x1] =	stream.linear.gather [hbm4b:s24+s25], $0x4000, $0x38;
	[tilespmem:$0x1C980] =	vst v63  }
0x154: {  	s30 =	sshll.u32 s23, $0x4;
	_ =	swait.ge [sflag:s12], $0x4000  }
0x155: {  	s23 =	sand.u32 $0x1FFFFFF0, s30;
	v12 =	vmov s25;
	[sflag:s12] =	ssyncset.done $0x0  }
0x156: {  	s23 =	sadd.s32 s3, s23;
	v13 =	vor.u32 $0x1, v12;
	[sflag:s12] =	ssyncadd.s32 $0xFFFFC000  }
0x157: {  	[tilespmem:s17], [sflag:$0x1] =	stream.linear.gather [hbm4b:s23+s25], $0x80, $0x38;
	[tilespmem:$0x1C980] =	vst v63  }
0x158: {  	_ =	swait.ge [sflag:s12], $0x80  }
0x159: {  	[sflag:s12] =	ssyncset.done $0x0  }
0x15a: {  	[sflag:s12] =	ssyncadd.s32 $0xFFFFFF80  }
0x15b: {  	v13 =	vld.idx.msk [tilespmem:v13+s17+$0x0], $0xffff  }
0x15c: {  	s31 =	simm.s32 $0x0;
	v14 =	vld.idx.msk [tilespmem:v12+s17+$0x0], $0xffff  }
0x15d: {  	v12 =	vld [tilespmem:s31+$0x40F0]  }
0x15e: {  	v18 =	vld [tilespmem:s31+$0x4020]  }
0x15f: {  	v19 =	vld [tilespmem:s31+$0x4090]  }
0x160: {  	v20 =	vld [tilespmem:s31+$0x4030]  }
0x161: {  	v21 =	vld [tilespmem:s31+$0x4010]  }
0x162: {  	v22 =	vld [tilespmem:s31+$0x4080];
	v16 =	vsub.s32 v13, v0  }
0x163: {  	v23 =	vld [tilespmem:s31+$0x4000];
	v13 =	vand.u32 $0x7, v13;
	v15 =	vsub.s32 v14, v0;
	v14 =	vand.u32 $0x7, v14  }
0x164: {  	v24 =	vld [tilespmem:s31+$0x4040];
	vm0 =	vgt.s32 v16, $0xFFFFFFFF;
	vm1 =	vgt.s32 v15, $0xFFFFFFFF;
	vm2 =	vlt.s32 v15, v1  }
0x165: {  	v25 =	vld [tilespmem:s31+$0x4050];
	vm3 =	vlt.s32 v16, v1;
	v14 =	vor.u32 $0x140, v14;
	vm1 =	vmand vm1, vm2  }
0x166: {  	v28 =	vld [tilespmem:s31+$0x40A0];
	v13 =	vor.u32 $0x140, v13;
	vm0 =	vmand vm0, vm3;
	v14 =	vsel vm1, v15, v14  }
0x167: {  	v29 =	vld [tilespmem:s31+$0x40B0];
	v16 =	vsel vm0, v16, v13;
	v26 =	vshll.u32 v14, $0x7  }
0x168: {  	v30 =	vld [tilespmem:s31+$0x40C0];
	v27 =	vshll.u32 v16, $0x7;
	v14 =	vor.u32 v2, v26  }
0x169: {  	v32 =	vld [tilespmem:s31+$0x40D0];
	v16 =	vor.u32 v2, v27  }
0x16a: {  	v17 =	vld [tilespmem:s31+$0x40E0];
	v31 =	vor.u32 v4, v26  }
0x16b: {  	v15 =	vld [tilespmem:s31+$0x4060];
	v33 =	vor.u32 v4, v27  }
0x16c: {  	v13 =	vld [tilespmem:s31+$0x4070];
	v34 =	vor.u32 v5, v26  }
0x16d: {  	[tilespmem:v14+s14+$0x0] =	vst.idx.add.f32.msk $0xffff, v23;
	v23 =	vor.u32 v5, v27  }
0x16e: {  	[tilespmem:v16+s14+$0x0] =	vst.idx.add.f32.msk $0xffff, v22;
	v22 =	vor.u32 v6, v26  }
0x16f: {  	[tilespmem:v31+s14+$0x0] =	vst.idx.add.f32.msk $0xffff, v21;
	v21 =	vor.u32 v6, v27  }
0x170: {  	[tilespmem:v33+s14+$0x0] =	vst.idx.add.f32.msk $0xffff, v19;
	v19 =	vor.u32 v7, v26  }
0x171: {  	[tilespmem:v34+s14+$0x0] =	vst.idx.add.f32.msk $0xffff, v18;
	v18 =	vor.u32 v7, v27  }
0x172: {  	[tilespmem:v23+s14+$0x0] =	vst.idx.add.f32.msk $0xffff, v28  }
0x173: {  	v23 =	vor.u32 v8, v26;
	[tilespmem:v22+s14+$0x0] =	vst.idx.add.f32.msk $0xffff, v20  }
0x174: {  	v22 =	vor.u32 v8, v27;
	[tilespmem:v21+s14+$0x0] =	vst.idx.add.f32.msk $0xffff, v29  }
0x175: {  	[tilespmem:v19+s14+$0x0] =	vst.idx.add.f32.msk $0xffff, v24;
	v19 =	vor.u32 v9, v26  }
0x176: {  	[tilespmem:v18+s14+$0x0] =	vst.idx.add.f32.msk $0xffff, v30;
	v18 =	vor.u32 v9, v27  }
0x177: {  	v20 =	vor.u32 v10, v26  }
0x178: {  	v21 =	vor.u32 v10, v27;
	[tilespmem:v23+s14+$0x0] =	vst.idx.add.f32.msk $0xffff, v25  }
0x179: {  	s24 =	simm.s32 $0x2;
	s23 =	simm.s32 $0x400;
	[tilespmem:v22+s14+$0x0] =	vst.idx.add.f32.msk $0xffff, v32  }
.LBB2_15:
0x17a: {  	v22 =	vmov s24;
	p2 =	sne.s32 s23, $0xFC00;
	[tilespmem:v19+s14+$0x0] =	vst.idx.add.f32.msk $0xffff, v15;
	s25 =	smov.u32 s23;
	s23 =	sadd.s32 $0x400, s23  }
0x17b: {  	v15 =	vor.u32 $0x1, v22;
	[tilespmem:v18+s14+$0x0] =	vst.idx.add.f32.msk $0xffff, v17  }
0x17c: {  	[tilespmem:v20+s14+$0x0] =	vst.idx.add.f32.msk $0xffff, v13  }
0x17d: {  	[tilespmem:v21+s14+$0x0] =	vst.idx.add.f32.msk $0xffff, v12  }
0x17e: {  	[tilespmem:v14+s15+$0x0] =	vst.idx.add.f32.msk $0xffff, v11  }
0x17f: {  	[tilespmem:v16+s15+$0x0] =	vst.idx.add.f32.msk $0xffff, v11  }
0x180: {  	v13 =	vld.idx.msk [tilespmem:v15+s17+$0x0], $0xffff  }
0x181: {  	s25 =	sshra.s32 s25, $0x2;
	v14 =	vld.idx.msk [tilespmem:v22+s17+$0x0], $0xffff  }
0x182: {  	v12 =	vld [tilespmem:s25+$0x40F0]  }
0x183: {  	v18 =	vld [tilespmem:s25+$0x4020]  }
0x184: {  	v19 =	vld [tilespmem:s25+$0x4090]  }
0x185: {  	v20 =	vld [tilespmem:s25+$0x4030]  }
0x186: {  	v15 =	vsub.s32 v13, v0;
	v13 =	vand.u32 $0x7, v13;
	v21 =	vld [tilespmem:s25+$0x4010]  }
0x187: {  	v16 =	vsub.s32 v14, v0;
	v14 =	vand.u32 $0x7, v14;
	vm0 =	vgt.s32 v15, $0xFFFFFFFF;
	v22 =	vld [tilespmem:s25+$0x4080]  }
0x188: {  	vm3 =	vlt.s32 v15, v1;
	vm1 =	vgt.s32 v16, $0xFFFFFFFF;
	vm2 =	vlt.s32 v16, v1;
	v23 =	vld [tilespmem:s25+$0x4000]  }
0x189: {  	v14 =	vor.u32 $0x140, v14;
	vm0 =	vmand vm0, vm3;
	vm1 =	vmand vm1, vm2;
	v24 =	vld [tilespmem:s25+$0x4040]  }
0x18a: {  	v13 =	vor.u32 $0x140, v13;
	v14 =	vsel vm1, v16, v14;
	v25 =	vld [tilespmem:s25+$0x4050]  }
0x18b: {  	v16 =	vsel vm0, v15, v13;
	v26 =	vshll.u32 v14, $0x7;
	v15 =	vld [tilespmem:s25+$0x4060]  }
0x18c: {  	v27 =	vshll.u32 v16, $0x7;
	v13 =	vld [tilespmem:s25+$0x4070]  }
0x18d: {  	v14 =	vor.u32 v2, v26;
	v28 =	vld [tilespmem:s25+$0x40A0]  }
0x18e: {  	v16 =	vor.u32 v2, v27;
	v29 =	vld [tilespmem:s25+$0x40B0]  }
0x18f: {  	v31 =	vor.u32 v4, v26;
	v30 =	vld [tilespmem:s25+$0x40C0]  }
0x190: {  	v33 =	vor.u32 v4, v27;
	v32 =	vld [tilespmem:s25+$0x40D0]  }
0x191: {  	v34 =	vor.u32 v5, v26;
	v17 =	vld [tilespmem:s25+$0x40E0]  }
0x192: {  	[tilespmem:v14+s14+$0x0] =	vst.idx.add.f32.msk $0xffff, v23;
	v23 =	vor.u32 v5, v27  }
0x193: {  	[tilespmem:v16+s14+$0x0] =	vst.idx.add.f32.msk $0xffff, v22;
	v22 =	vor.u32 v6, v26  }
0x194: {  	[tilespmem:v31+s14+$0x0] =	vst.idx.add.f32.msk $0xffff, v21;
	v21 =	vor.u32 v6, v27  }
0x195: {  	v31 =	vor.u32 v7, v26;
	[tilespmem:v33+s14+$0x0] =	vst.idx.add.f32.msk $0xffff, v19  }
0x196: {  	v33 =	vor.u32 v7, v27;
	[tilespmem:v34+s14+$0x0] =	vst.idx.add.f32.msk $0xffff, v18  }
0x197: {  	[tilespmem:v23+s14+$0x0] =	vst.idx.add.f32.msk $0xffff, v28;
	v23 =	vor.u32 v8, v26  }
0x198: {  	[tilespmem:v22+s14+$0x0] =	vst.idx.add.f32.msk $0xffff, v20;
	v22 =	vor.u32 v8, v27  }
.Ltmp9:
0x199: {  	v19 =	vor.u32 v9, v26;
	[tilespmem:v21+s14+$0x0] =	vst.idx.add.f32.msk $0xffff, v29;
	(pc) =	sbr.rel @p2 .LBB2_15-.Ltmp9, $4  }
0x19a: {  	v18 =	vor.u32 v9, v27;
	[tilespmem:v31+s14+$0x0] =	vst.idx.add.f32.msk $0xffff, v24  }
0x19b: {  	v20 =	vor.u32 v10, v26;
	[tilespmem:v33+s14+$0x0] =	vst.idx.add.f32.msk $0xffff, v30  }
0x19c: {  	v21 =	vor.u32 v10, v27;
	[tilespmem:v23+s14+$0x0] =	vst.idx.add.f32.msk $0xffff, v25  }
0x19d: {  	s24 =	sadd.s32 $0x2, s24;
	[tilespmem:v22+s14+$0x0] =	vst.idx.add.f32.msk $0xffff, v32  }
0x19e: {  	_ =	sdelay $0x3  }
0x19f: {  	[tilespmem:v19+s14+$0x0] =	vst.idx.add.f32.msk $0xffff, v15  }
.Ltmp10:
0x1a0: {  	[tilespmem:v18+s14+$0x0] =	vst.idx.add.f32.msk $0xffff, v17;
	(pc) =	sbr.rel .LBB2_17-.Ltmp10, $4  }
0x1a1: {  	[tilespmem:v20+s14+$0x0] =	vst.idx.add.f32.msk $0xffff, v13  }
0x1a2: {  	[tilespmem:v21+s14+$0x0] =	vst.idx.add.f32.msk $0xffff, v12  }
0x1a3: {  	[tilespmem:v14+s15+$0x0] =	vst.idx.add.f32.msk $0xffff, v11  }
0x1a4: {  	[tilespmem:v16+s15+$0x0] =	vst.idx.add.f32.msk $0xffff, v11  }
.LBB2_18:
0x1a5: {  	s20 =	simm.s32 $0x0  }
0x1a6: {  	v12 =	vld [tilespmem:s20+$0x12500];
	_ =	sdelay $0x4  }
0x1a7: {  	v12 =	vmax.f32 v12, $1.000000000e+00  }
0x1a8: {  	s19 =	simm.s32 $0x80;
	(erf) = vrcp.f32 v12  }
0x1a9: {  	v12 =	vld [tilespmem:s19+$0x12500];
	_ =	sdelay $0x2  }
0x1aa: {  	v17 =	vld [tilespmem:s20+$0x8100]  }
0x1ab: {  	v18 =	vld [tilespmem:s20+$0x8110]  }
0x1ac: {  	v16 =	vld [tilespmem:s20+$0x8120];
	v12 =	vmax.f32 v12, $1.000000000e+00  }
0x1ad: {  	v14 =	vld [tilespmem:s20+$0x8130]  }
0x1ae: {  	v15 =	vld [tilespmem:s20+$0x8140]  }
0x1af: {  	v13 =	vld [tilespmem:s20+$0x8150];
	(erf) = vrcp.f32 v12;
	v12 =	vpop (erf)  }
0x1b0: {  	s21 =	simm.s32 $0x400;
	v19 =	vmul.f32 v12, v17;
	v18 =	vmul.f32 v18, v12;
	v17 =	vld [tilespmem:s20+$0x8160]  }
.LBB2_19:
0x1b1: {  	s22 =	sshra.s32 s21, $0x2;
	p2 =	sne.s32 s21, $0x27E00;
	s21 =	sadd.s32 $0x200, s21;
	v16 =	vmul.f32 v16, v12;
	v20 =	vld [tilespmem:s20+$0x8170]  }
0x1b2: {  	v21 =	vld [tilespmem:s22+$0x12500];
	[tilespmem:s20+$0x8100] =	vst v19;
	v14 =	vmul.f32 v14, v12  }
0x1b3: {  	v19 =	vld [tilespmem:s19+$0x8100];
	[tilespmem:s20+$0x8110] =	vst v18;
	v15 =	vmul.f32 v15, v12  }
0x1b4: {  	v18 =	vld [tilespmem:s19+$0x8110];
	[tilespmem:s20+$0x8120] =	vst v16;
	v13 =	vmul.f32 v13, v12  }
.Ltmp11:
0x1b5: {  	v16 =	vld [tilespmem:s19+$0x8120];
	[tilespmem:s20+$0x8130] =	vst v14;
	v17 =	vmul.f32 v17, v12;
	(pc) =	sbr.rel @p2 .LBB2_19-.Ltmp11, $4  }
0x1b6: {  	v14 =	vld [tilespmem:s19+$0x8130];
	[tilespmem:s20+$0x8140] =	vst v15;
	v20 =	vmul.f32 v20, v12  }
0x1b7: {  	v21 =	vmax.f32 v21, $1.000000000e+00;
	v15 =	vld [tilespmem:s19+$0x8140];
	[tilespmem:s20+$0x8150] =	vst v13  }
0x1b8: {  	(erf) = vrcp.f32 v21;
	v13 =	vld [tilespmem:s19+$0x8150];
	v12 =	vpop (erf);
	[tilespmem:s20+$0x8160] =	vst v17  }
0x1b9: {  	v19 =	vmul.f32 v12, v19;
	v18 =	vmul.f32 v18, v12;
	v17 =	vld [tilespmem:s19+$0x8160];
	[tilespmem:s20+$0x8170] =	vst v20;
	s20 =	smov.u32 s19;
	s19 =	smov.u32 s22  }
0x1ba: {  	_ =	sdelay $0x1  }
0x1bb: {  	v20 =	vld [tilespmem:s20+$0x8170];
	v16 =	vmul.f32 v16, v12;
	[tilespmem:s20+$0x8100] =	vst v19  }
0x1bc: {  	v14 =	vmul.f32 v14, v12;
	v19 =	vld [tilespmem:s19+$0x8100];
	[tilespmem:s20+$0x8110] =	vst v18  }
0x1bd: {  	v15 =	vmul.f32 v15, v12;
	v18 =	vld [tilespmem:s19+$0x8110];
	[tilespmem:s20+$0x8120] =	vst v16  }
0x1be: {  	v13 =	vmul.f32 v13, v12;
	v16 =	vld [tilespmem:s19+$0x8120];
	[tilespmem:s20+$0x8130] =	vst v14  }
0x1bf: {  	v17 =	vmul.f32 v17, v12;
	v14 =	vld [tilespmem:s19+$0x8130];
	[tilespmem:s20+$0x8140] =	vst v15  }
0x1c0: {  	v56 =	vmul.f32 v20, v12;
	v15 =	vld [tilespmem:s19+$0x8140];
	[tilespmem:s20+$0x8150] =	vst v13;
	v57 =	vpop (erf)  }
0x1c1: {  	v13 =	vld [tilespmem:s19+$0x8150];
	[tilespmem:s20+$0x8160] =	vst v17;
	v19 =	vmul.f32 v57, v19  }
0x1c2: {  	v58 =	vld [tilespmem:s19+$0x8160];
	[tilespmem:s20+$0x8170] =	vst v56;
	v59 =	vmul.f32 v18, v57  }
0x1c3: {  	v60 =	vld [tilespmem:s19+$0x8170];
	v16 =	vmul.f32 v16, v57;
	[tilespmem:s19+$0x8100] =	vst v19  }
0x1c4: {  	v14 =	vmul.f32 v14, v57;
	[tilespmem:s19+$0x8110] =	vst v59  }
0x1c5: {  	v61 =	vmul.f32 v15, v57;
	[tilespmem:s19+$0x8120] =	vst v16  }
0x1c6: {  	v13 =	vmul.f32 v13, v57;
	[tilespmem:s19+$0x8130] =	vst v14  }
0x1c7: {  	v62 =	vmul.f32 v58, v57;
	[tilespmem:s19+$0x8140] =	vst v61  }
0x1c8: {  	v63 =	vmul.f32 v60, v57;
	[tilespmem:s19+$0x8150] =	vst v13  }
0x1c9: {  	[tilespmem:s19+$0x8160] =	vst v62  }
0x1ca: {  	s20 =	simm.s32 @p0 $0x8100;
	[tilespmem:s19+$0x8170] =	vst v63;
	s19 =	simm.s32 @p0 $0x0  }
0x1cb: {  	[hbm4b:s7+s19] =	stream.linear.scatter @p0 [tilespmem:s20], [sflag:$0x1], $0x4000, $0x38;
	[tilespmem:$0x1C980] =	vst v63  }
0x1cc: {  	s20 =	simm.s32 @p0 $0x1  }
0x1cd: {  	_ =	swait.ge @p0 [sflag:s20], $0x4000  }
0x1ce: {  	[sflag:s20] =	ssyncset.done @p0 $0x0  }
0x1cf: {  	s21 =	simm.s32 @p0 $0xC100;
	[sflag:s20] =	ssyncadd.s32 @p0 $0xFFFFC000  }
0x1d0: {  	[hbm4b:s8+s19] =	stream.linear.scatter @p0 [tilespmem:s21], [sflag:$0x1], $0x4000, $0x38;
	[tilespmem:$0x1C980] =	vst v63  }
0x1d1: {  	_ =	swait.ge @p0 [sflag:s20], $0x4000  }
0x1d2: {  	[sflag:s20] =	ssyncset.done @p0 $0x0  }
0x1d3: {  	s21 =	simm.s32 @p0 $0x10100;
	[sflag:s20] =	ssyncadd.s32 @p0 $0xFFFFC000  }
0x1d4: {  	[hbm4b:s9+s19] =	stream.linear.scatter @p0 [tilespmem:s21], [sflag:$0x1], $0x2000, $0x38;
	[tilespmem:$0x1C980] =	vst v63  }
0x1d5: {  	_ =	swait.ge @p0 [sflag:s20], $0x2000  }
0x1d6: {  	[sflag:s20] =	ssyncset.done @p0 $0x0  }
0x1d7: {  	s19 =	simm.s32 @!p1 $0x0;
	[sflag:s20] =	ssyncadd.s32 @p0 $0xFFFFE000;
	s20 =	simm.s32 @!p1 $0x8100  }
0x1d8: {  	[hbm4b:s7+s19] =	stream.linear.scatter @!p1 [tilespmem:s20], [sflag:$0x1], $0x4000, $0x38;
	[tilespmem:$0x1C980] =	vst v63  }
0x1d9: {  	s20 =	simm.s32 @!p1 $0x1  }
0x1da: {  	_ =	swait.ge @!p1 [sflag:s20], $0x4000  }
0x1db: {  	[sflag:s20] =	ssyncset.done @!p1 $0x0  }
0x1dc: {  	s21 =	simm.s32 @!p1 $0xC100;
	[sflag:s20] =	ssyncadd.s32 @!p1 $0xFFFFC000  }
0x1dd: {  	[hbm4b:s8+s19] =	stream.linear.scatter @!p1 [tilespmem:s21], [sflag:$0x1], $0x4000, $0x38;
	[tilespmem:$0x1C980] =	vst v63  }
0x1de: {  	s18 =	sadd.s32 $0x1, s18;
	_ =	swait.ge @!p1 [sflag:s20], $0x4000  }
0x1df: {  	p2 =	sne.s32 s18, s10;
	[sflag:s20] =	ssyncset.done @!p1 $0x0  }
.Ltmp12:
0x1e0: {  	s21 =	simm.s32 @!p1 $0x10100;
	[sflag:s20] =	ssyncadd.s32 @!p1 $0xFFFFC000;
	(pc) =	sbr.rel @p2 .LBB2_1-.Ltmp12, $4  }
0x1e1: {  	[hbm4b:s9+s19] =	stream.linear.scatter @!p1 [tilespmem:s21], [sflag:$0x1], $0x1C00, $0x38;
	[tilespmem:$0x1C980] =	vst v63  }
0x1e2: {  	_ =	swait.ge @!p1 [sflag:s20], $0x1C00  }
0x1e3: {  	[sflag:s20] =	ssyncset.done @!p1 $0x0  }
0x1e4: {  	[sflag:s20] =	ssyncadd.s32 @!p1 $0xFFFFE400  }
0x1e5: {  	_ =	sfence.sel $0x180000  }
0x1e6: {  	[bflag:$0x0] =	sbarrier.arrive $0xFFFF  }
0x1e7: {  	p0 =	sne.s32 s2, $0x0;
	_ =	strace $0x90000047  }
0x1e8: {  	s0 =	sadd.s32 @!p0 $0x100000, s1;
	[bflag:$0x2] =	sbarrier.arrive $0xFFFF  }
0x1e9: {  	[sflag:s0] =	ssyncadd.tile.s32 @!p0 $0x1;
	_ =	shalt  }
.Lfunc_end2:
_tile_overlayer_lowered:
.L_overlay_start_2:
0x1ea: {  	(tag) =	ssettag $0x2  }
0x1eb: {  	s0 =	rddreg [dreg:$0x0];
	s2 =	stileid.u32  }
0x1ec: {  	s1 =	rddreg [dreg:$0x1];
	p0 =	sne.s32 s2, $0x0  }
0x1ed: {  	s3 =	rddreg [dreg:$0x2];
	[bflag:$0x3] =	sbarrier.arrive $0xFFFF;
	s2 =	simm.s32 @!p0 $0x1C01  }
0x1ee: {  	[timem:s3], [sflag:s2] =	dma.local @!p0 [hbm:s0], s1  }
0x1ef: {  	s0 =	simm.s32 @!p0 $0x1  }
0x1f0: {  	_ =	swait.ge @!p0 [sflag:s0], s1  }
0x1f1: {  	s1 =	ssub.s32 @!p0 $0x0, s1;
	[sflag:s0] =	ssyncset.done @!p0 $0x0  }
0x1f2: {  	[sflag:s0] =	ssyncadd.s32 @!p0 s1  }
0x1f3: {  	[bflag:$0x3] =	sbarrier.arrive $0xFFFF  }
0x1f4: {  	_ =	shalt  }

</sc_bundles>
